<compile_context>
chip_gen: v7x
topology: tpu7x:2x2x1
jax: 0.10.2.dev20260603
libtpu: 0.0.44.dev20260713+nightly
codegen_flags: <defaults>
</compile_context>

<pallas_src>
import jax
import jax.numpy as jnp
from jax import lax
from jax.experimental import pallas as pl
from jax.experimental.pallas import tpu as pltpu
from jax.experimental.pallas import tpu_sc as plsc

EMBED_DIM = 768
FFN_DIM = 1536
NUM_EXPERTS = 8
CAPACITY = 512
ALPHA = 0.01
N_TOK = 2048
LANES = 128
TOK_TILE = 512


def _router_body(x_ref, rw_ref, rb_ref, wvT_ref, owT_ref, aux_ref):
    x = x_ref[...]
    logits = jnp.dot(x, rw_ref[...], preferred_element_type=jnp.float32)
    logits = logits + rb_ref[...]
    col = jax.lax.broadcasted_iota(jnp.int32, (N_TOK, NUM_EXPERTS), 1)
    m = jnp.max(logits, axis=1, keepdims=True)
    ex = jnp.exp(logits - m)
    s = ex / jnp.sum(ex, axis=1, keepdims=True)
    big_i = jnp.int32(LANES)
    m1 = jnp.max(s, axis=1, keepdims=True)
    i1 = jnp.min(jnp.where(s == m1, col, big_i), axis=1, keepdims=True)
    s2m = jnp.where(col == i1, -2.0, s)
    m2 = jnp.max(s2m, axis=1, keepdims=True)
    i2 = jnp.min(jnp.where(s2m == m2, col, big_i), axis=1, keepdims=True)
    wsum = m1 + m2
    wfull = (jnp.where(col == i1, m1 / wsum, 0.0)
             + jnp.where(col == i2, m2 / wsum, 0.0))
    maskf = jnp.where((col == i1) | (col == i2), 1.0, 0.0)
    rank = maskf
    k = 1
    while k < N_TOK:
        shifted = jnp.concatenate(
            [jnp.zeros((k, NUM_EXPERTS), jnp.float32), rank[: N_TOK - k, :]],
            axis=0)
        rank = rank + shifted
        k *= 2
    within = (maskf > 0.0) & (rank <= jnp.float32(CAPACITY))
    overflow = (maskf > 0.0) & ~within
    w_within = jnp.where(within, wfull, 0.0)
    ow_tok = jnp.sum(jnp.where(overflow, wfull, 0.0), axis=1, keepdims=True)
    nw = jnp.sum(within.astype(jnp.float32), axis=0, keepdims=True)
    p = jnp.sum(w_within, axis=0, keepdims=True) / jnp.maximum(nw, 1.0)
    f = nw / jnp.float32(N_TOK)
    aux_ref[...] = jnp.float32(ALPHA * NUM_EXPERTS) * jnp.sum(
        f * p, keepdims=True)
    destf = jnp.where(within, rank - 1.0, -1.0)
    wvT_ref[...] = jnp.concatenate([w_within, destf], axis=1).T
    owT_ref[...] = jnp.where(col == 0, ow_tok, 0.0)


def _sc_dispatch(flat_hbm, wvT_hbm,
                 xbuf_hbm, idx_hbm, wbuf_hbm,
                 wvec, dvec, idxv, wslotv, idx128, rows, sh_idx, sem):
    core = lax.axis_index("c")
    sub = lax.axis_index("s")
    lane = lax.iota(jnp.int32, 16)

    @pl.when(sub < 4)
    def _pack():
        e = core * 4 + sub
        pltpu.sync_copy(wvT_hbm.at[e], wvec)
        pltpu.sync_copy(wvT_hbm.at[NUM_EXPERTS + e], dvec)
        zi = jnp.zeros((16,), jnp.int32)
        zf = jnp.zeros((16,), jnp.float32)
        for i in range(CAPACITY // 16):
            idxv[pl.ds(i * 16, 16)] = zi
            wslotv[pl.ds(i * 16, 16)] = zf

        def body(i, carry):
            d16 = dvec[pl.ds(i * 16, 16)]
            within = d16 >= 0.0
            dest = jnp.maximum(d16, 0.0).astype(jnp.int32)
            w16 = wvec[pl.ds(i * 16, 16)]
            tok = lane + i * 16
            plsc.store_scatter(idxv, [dest], tok, mask=within)
            plsc.store_scatter(wslotv, [dest], w16, mask=within)
            return carry

        lax.fori_loop(0, N_TOK // 16, body, 0)
        pltpu.sync_copy(idxv, sh_idx.at[sub])
        pltpu.sync_copy(idxv, idx_hbm.at[e])
        pltpu.sync_copy(wslotv, wbuf_hbm.at[e])

    plsc.subcore_barrier()
    e_loc = sub // 4
    j = sub % 4
    e = core * 4 + e_loc
    pltpu.sync_copy(sh_idx.at[e_loc, pl.ds(j * 128, 128)], idx128)
    pltpu.async_copy(flat_hbm.at[idx128], rows, sem).wait()
    pltpu.sync_copy(rows, xbuf_hbm.at[pl.ds(e * CAPACITY + j * 128, 128)])


def _make_dispatch():
    return pl.kernel(
        _sc_dispatch,
        out_type=[
            jax.ShapeDtypeStruct((NUM_EXPERTS * CAPACITY, EMBED_DIM),
                                 jnp.float32),
            jax.ShapeDtypeStruct((NUM_EXPERTS, CAPACITY), jnp.int32),
            jax.ShapeDtypeStruct((NUM_EXPERTS, CAPACITY), jnp.float32),
        ],
        mesh=plsc.VectorSubcoreMesh(core_axis_name="c", subcore_axis_name="s"),
        compiler_params=pltpu.CompilerParams(needs_layout_passes=False),
        scratch_types=[
            pltpu.VMEM((N_TOK,), jnp.float32),
            pltpu.VMEM((N_TOK,), jnp.float32),
            pltpu.VMEM((CAPACITY,), jnp.int32),
            pltpu.VMEM((CAPACITY,), jnp.float32),
            pltpu.VMEM((128,), jnp.int32),
            pltpu.VMEM((128, EMBED_DIM), jnp.float32),
            pltpu.VMEM_SHARED((4, CAPACITY), jnp.int32),
            pltpu.SemaphoreType.DMA,
        ],
    )


def _ovf_body(xf_ref, ow1_ref, ob1_ref, ow2_ref, ob2_ref, owT_ref, out_ref):
    x = xf_ref[...].astype(jnp.bfloat16)
    h = jnp.dot(x, ow1_ref[...].astype(jnp.bfloat16),
                preferred_element_type=jnp.float32)
    h = jax.nn.relu(h + ob1_ref[...])
    y = jnp.dot(h.astype(jnp.bfloat16), ow2_ref[...].astype(jnp.bfloat16),
                preferred_element_type=jnp.float32)
    y = y + ob2_ref[...]
    c = jnp.sum(owT_ref[...], axis=1, keepdims=True)
    out_ref[...] = c * y


def _exp_body(xb_ref, w1_ref, b1_ref, w2_ref, b2_ref, idx_ref,
              wbT_ref, ovf_ref, out_ref):
    i = pl.program_id(0)

    @pl.when(i == 0)
    def _():
        out_ref[...] = ovf_ref[...]

    x = xb_ref[...].astype(jnp.bfloat16)
    h = jnp.dot(x, w1_ref[0].astype(jnp.bfloat16),
                preferred_element_type=jnp.float32)
    h = jax.nn.relu(h + b1_ref[0])
    y = jnp.dot(h.astype(jnp.bfloat16), w2_ref[0].astype(jnp.bfloat16),
                preferred_element_type=jnp.float32)
    y = y + b2_ref[0]
    lane8 = jax.lax.broadcasted_iota(jnp.int32, (CAPACITY, NUM_EXPERTS), 1)
    wcol = jnp.sum(jnp.where(lane8 == i, wbT_ref[...], 0.0),
                   axis=1, keepdims=True)
    ys = (wcol * y).astype(jnp.bfloat16)
    trow = jax.lax.broadcasted_iota(jnp.int32, (N_TOK, CAPACITY), 0)
    oh = (trow == idx_ref[0]).astype(jnp.bfloat16)
    out_ref[...] += jnp.dot(oh, ys, preferred_element_type=jnp.float32)


def kernel(input, router_w, router_b, w1, b1, w2, b2, ow1, ob1, ow2, ob2):
    flat = input.reshape(N_TOK, EMBED_DIM)
    rb_p = router_b.reshape(1, NUM_EXPERTS)

    wvT, owT, aux = pl.pallas_call(
        _router_body,
        out_shape=[
            jax.ShapeDtypeStruct((2 * NUM_EXPERTS, N_TOK), jnp.float32),
            jax.ShapeDtypeStruct((N_TOK, NUM_EXPERTS), jnp.float32),
            jax.ShapeDtypeStruct((1, 1), jnp.float32),
        ],
    )(flat, router_w, rb_p)

    xbuf, idx, wbuf = _make_dispatch()(flat, wvT)

    idx3 = idx.reshape(NUM_EXPERTS, 1, CAPACITY)
    wbT = wbuf.T

    b1r = b1.reshape(NUM_EXPERTS, 1, FFN_DIM)
    b2r = b2.reshape(NUM_EXPERTS, 1, EMBED_DIM)
    ob1r = ob1.reshape(1, FFN_DIM)
    ob2r = ob2.reshape(1, EMBED_DIM)

    ovf = pl.pallas_call(
        _ovf_body,
        grid=(N_TOK // TOK_TILE,),
        in_specs=[
            pl.BlockSpec((TOK_TILE, EMBED_DIM), lambda t: (t, 0)),
            pl.BlockSpec((EMBED_DIM, FFN_DIM), lambda t: (0, 0)),
            pl.BlockSpec((1, FFN_DIM), lambda t: (0, 0)),
            pl.BlockSpec((FFN_DIM, EMBED_DIM), lambda t: (0, 0)),
            pl.BlockSpec((1, EMBED_DIM), lambda t: (0, 0)),
            pl.BlockSpec((TOK_TILE, NUM_EXPERTS), lambda t: (t, 0)),
        ],
        out_specs=pl.BlockSpec((TOK_TILE, EMBED_DIM), lambda t: (t, 0)),
        out_shape=jax.ShapeDtypeStruct((N_TOK, EMBED_DIM), jnp.float32),
    )(flat, ow1, ob1r, ow2, ob2r, owT)

    out = pl.pallas_call(
        _exp_body,
        grid=(NUM_EXPERTS,),
        in_specs=[
            pl.BlockSpec((TOK_TILE, EMBED_DIM), lambda i: (i, 0)),
            pl.BlockSpec((1, EMBED_DIM, FFN_DIM), lambda i: (i, 0, 0)),
            pl.BlockSpec((1, 1, FFN_DIM), lambda i: (i, 0, 0)),
            pl.BlockSpec((1, FFN_DIM, EMBED_DIM), lambda i: (i, 0, 0)),
            pl.BlockSpec((1, 1, EMBED_DIM), lambda i: (i, 0, 0)),
            pl.BlockSpec((1, 1, CAPACITY), lambda i: (i, 0, 0)),
            pl.BlockSpec((CAPACITY, NUM_EXPERTS), lambda i: (0, 0)),
            pl.BlockSpec((N_TOK, EMBED_DIM), lambda i: (0, 0)),
        ],
        out_specs=pl.BlockSpec((N_TOK, EMBED_DIM), lambda i: (0, 0)),
        out_shape=jax.ShapeDtypeStruct((N_TOK, EMBED_DIM), jnp.float32),
    )(xbuf, w1, b1r, w2, b2r, idx3, wbT, ovf)

    return out.reshape(input.shape), aux[0, 0]

# --- scband reference (transcript-rebuilt; emitter-appended) ---
"""Pipeline reference for scband-moe-49658411876490 (READ-ONLY COPY).

The authoritative reference and input builder live on the scoring server;
editing this copy changes nothing except your own understanding.
"""

import jax, jax.numpy as jnp
import numpy as np

EMBED_DIM = 768
FFN_DIM = 1536
NUM_EXPERTS = 8
CAPACITY = 512
ALPHA = 0.01
TOPK = 2


def _ffn(x, w1, b1, w2, b2):
    return jax.nn.relu(x @ w1 + b1) @ w2 + b2


def setup_inputs(seed: int = 0):
    key = jax.random.key(seed)
    ks = jax.random.split(key, 8)
    s = 0.02
    return {
        "input": jax.random.normal(ks[0], (1, 2048, EMBED_DIM), dtype=jnp.float32),
        "router_w": jax.random.normal(ks[1], (EMBED_DIM, NUM_EXPERTS), dtype=jnp.float32) * s,
        "router_b": jnp.zeros((NUM_EXPERTS,), dtype=jnp.float32),
        "w1": jax.random.normal(ks[2], (NUM_EXPERTS, EMBED_DIM, FFN_DIM), dtype=jnp.float32) * s,
        "b1": jnp.zeros((NUM_EXPERTS, FFN_DIM), dtype=jnp.float32),
        "w2": jax.random.normal(ks[3], (NUM_EXPERTS, FFN_DIM, EMBED_DIM), dtype=jnp.float32) * s,
        "b2": jnp.zeros((NUM_EXPERTS, EMBED_DIM), dtype=jnp.float32),
        "ow1": jax.random.normal(ks[4], (EMBED_DIM, FFN_DIM), dtype=jnp.float32) * s,
        "ob1": jnp.zeros((FFN_DIM,), dtype=jnp.float32),
        "ow2": jax.random.normal(ks[5], (FFN_DIM, EMBED_DIM), dtype=jnp.float32) * s,
        "ob2": jnp.zeros((EMBED_DIM,), dtype=jnp.float32),
    }


def _moe(input, router_w, router_b, w1, b1, w2, b2, ow1, ob1, ow2, ob2):
    B, S, D = input.shape
    N = B * S
    logits = input @ router_w + router_b
    scores = jax.nn.softmax(logits, axis=-1)
    topw, topi = jax.lax.top_k(scores, TOPK)
    topw = topw / jnp.sum(topw, axis=-1, keepdims=True)
    flat = input.reshape(N, D)
    topi = topi.reshape(N, TOPK)
    topw = topw.reshape(N, TOPK)
    out = jnp.zeros((N, D), dtype=jnp.float32)
    # Overflow expert is a per-token FFN: compute it densely once and mask per expert.
    overflow_all = _ffn(flat, ow1, ob1, ow2, ob2)
    token_ids = jnp.arange(N, dtype=jnp.int32)
    slot_ids = jnp.arange(CAPACITY, dtype=jnp.int32)
    aux_loss = jnp.float32(0.0)
    for e in range(NUM_EXPERTS):
        mask_pt = topi == e
        mask = jnp.any(mask_pt, axis=-1)
        w_e = jnp.sum(topw * mask_pt.astype(topw.dtype), axis=-1)  # [N]
        count = jnp.sum(mask.astype(jnp.int32))
        rank = jnp.cumsum(mask.astype(jnp.int32))  # 1-indexed position among assigned tokens (flat order, matches torch nonzero order)
        within = mask & (rank <= CAPACITY)
        overflow = mask & (rank > CAPACITY)
        # Pack the first CAPACITY assigned tokens into a fixed-size buffer (static shapes).
        dest = jnp.where(within, rank - 1, CAPACITY)  # CAPACITY is out-of-range -> dropped
        idx_buf = jnp.zeros((CAPACITY,), dtype=jnp.int32).at[dest].set(token_ids, mode="drop")
        n_within = jnp.minimum(count, CAPACITY)
        slot_valid = (slot_ids < n_within).astype(jnp.float32)[:, None]
        x_buf = flat[idx_buf]
        y_buf = _ffn(x_buf, w1[e], b1[e], w2[e], b2[e])
        w_buf = w_e[idx_buf][:, None]
        out = out.at[idx_buf].add(slot_valid * w_buf * y_buf)
        # Overflow tokens routed to the overflow expert.
        out = out + (overflow.astype(jnp.float32) * w_e)[:, None] * overflow_all
        # Aux loss: f_expert = min(capacity, num_assigned)/N ; p_expert = mean weight over within-capacity tokens.
        p_expert = jnp.sum(w_e * within.astype(jnp.float32)) / jnp.maximum(n_within, 1).astype(jnp.float32)
        f_expert = n_within.astype(jnp.float32) / N
        aux_loss = aux_loss + f_expert * p_expert
    aux_loss = ALPHA * NUM_EXPERTS * aux_loss
    return out.reshape(B, S, D), aux_loss


def reference(input, router_w, router_b, w1, b1, w2, b2, ow1, ob1, ow2, ob2):
    return _moe(input, router_w, router_b, w1, b1, w2, b2, ow1, ob1, ow2, ob2)

if __name__ == "__main__":
    import jax
    _d = setup_inputs()
    print(jax.jit(kernel)(*tuple(_d.values())))

</pallas_src>

<mosaic_0001>
#map = affine_map<(d0, d1) -> (0, 0)>
module attributes {stable_mosaic.version = 14 : i64} {
  func.func @_sc_dispatch(%arg0: i32, %arg1: i32, %arg2: memref<2048x768xf32, #tpu.memory_space<hbm>>, %arg3: memref<16x2048xf32, #tpu.memory_space<hbm>>, %arg4: memref<4096x768xf32, #tpu.memory_space<hbm>>, %arg5: memref<8x512xi32, #tpu.memory_space<hbm>>, %arg6: memref<8x512xf32, #tpu.memory_space<hbm>>, %arg7: memref<2048xf32, #tpu.memory_space<vmem>>, %arg8: memref<2048xf32, #tpu.memory_space<vmem>>, %arg9: memref<512xi32, #tpu.memory_space<vmem>>, %arg10: memref<512xf32, #tpu.memory_space<vmem>>, %arg11: memref<128xi32, #tpu.memory_space<vmem>>, %arg12: memref<128x768xf32, #tpu.memory_space<vmem>>, %arg13: memref<4x512xi32, #tpu.memory_space<vmem_shared>>, %arg14: memref<!tpu.dma_semaphore, #tpu.memory_space<semaphore_mem>>) attributes {dimension_semantics = [#tpu.dimension_semantics<core_parallel>, #tpu.dimension_semantics<subcore_parallel>], iteration_bounds = array<i64: 2, 16>, scalar_prefetch = 0 : i64, scratch_operands = 8 : i64, tpu.core_type = #tpu.core_type<sc_vector_subcore>, window_params = [{transform_indices = #map}, {transform_indices = #map}, {transform_indices = #map}, {transform_indices = #map}, {transform_indices = #map}]} {
    %iota3A = tpu.iota {dimensions = array<i32: 0>} : vector<16xi32>
    %lt3A = arith.constant 4 : i32
    %lt3A_0 = arith.cmpi slt, %arg1, %lt3A : i32
    %convert_element_type3A = arith.extui %lt3A_0 : i1 to i32
    %cond3A = arith.constant 0 : i32
    %cond3A_1 = arith.cmpi ne, %convert_element_type3A, %cond3A : i32
    scf.if %cond3A_1 {
      %mul3A_45 = arith.constant 4 : i32
      %mul3A_46 = arith.muli %arg0, %mul3A_45 : i32
      %add3A_47 = arith.addi %mul3A_46, %arg1 : i32
      "tpu.region"() ({
        %run_scoped3A = tpu.sem_alloc : memref<!tpu.dma_semaphore, #tpu.memory_space<semaphore_mem>>
        %dma_start3A_185 = arith.constant 0 : i32
        %dma_start3A_186 = tpu.memref_slice %arg3[%add3A_47, %dma_start3A_185] : memref<16x2048xf32, #tpu.memory_space<hbm>> -> memref<1x2048xf32, #tpu.memory_space<hbm>>
        %dma_start3A_187 = tpu.memref_squeeze %dma_start3A_186 : memref<1x2048xf32, #tpu.memory_space<hbm>> -> memref<2048xf32, #tpu.memory_space<hbm>>
        %dma_start3A_188 = arith.constant 0 : i32
        %dma_start3A_189 = tpu.memref_slice %arg3[%add3A_47, %dma_start3A_188] : memref<16x2048xf32, #tpu.memory_space<hbm>> -> memref<1x2048xf32, #tpu.memory_space<hbm>>
        %dma_start3A_190 = tpu.memref_squeeze %dma_start3A_189 : memref<1x2048xf32, #tpu.memory_space<hbm>> -> memref<2048xf32, #tpu.memory_space<hbm>>
        tpu.enqueue_dma source(%dma_start3A_190 : memref<2048xf32, #tpu.memory_space<hbm>>) target(%arg7 : memref<2048xf32, #tpu.memory_space<vmem>>) target_semaphore(%run_scoped3A : memref<!tpu.dma_semaphore, #tpu.memory_space<semaphore_mem>>)
        %dma_wait3A_191 = arith.constant 0 : i32
        %dma_wait3A_192 = tpu.memref_slice %arg3[%add3A_47, %dma_wait3A_191] : memref<16x2048xf32, #tpu.memory_space<hbm>> -> memref<1x2048xf32, #tpu.memory_space<hbm>>
        %dma_wait3A_193 = tpu.memref_squeeze %dma_wait3A_192 : memref<1x2048xf32, #tpu.memory_space<hbm>> -> memref<2048xf32, #tpu.memory_space<hbm>>
        %dma_wait3A_194 = arith.constant 0 : i32
        %dma_wait3A_195 = tpu.memref_slice %arg3[%add3A_47, %dma_wait3A_194] : memref<16x2048xf32, #tpu.memory_space<hbm>> -> memref<1x2048xf32, #tpu.memory_space<hbm>>
        %dma_wait3A_196 = tpu.memref_squeeze %dma_wait3A_195 : memref<1x2048xf32, #tpu.memory_space<hbm>> -> memref<2048xf32, #tpu.memory_space<hbm>>
        tpu.wait_dma2 semaphore(%run_scoped3A : memref<!tpu.dma_semaphore, #tpu.memory_space<semaphore_mem>>) src(%dma_wait3A_196 : memref<2048xf32, #tpu.memory_space<hbm>>) dst(%arg7 : memref<2048xf32, #tpu.memory_space<vmem>>)
        tpu.yield
      }) : () -> ()
      %add3A_48 = arith.constant 8 : i32
      %add3A_49 = arith.addi %add3A_48, %add3A_47 : i32
      "tpu.region"() ({
        %run_scoped3A = tpu.sem_alloc : memref<!tpu.dma_semaphore, #tpu.memory_space<semaphore_mem>>
        %dma_start3A_185 = arith.constant 0 : i32
        %dma_start3A_186 = tpu.memref_slice %arg3[%add3A_49, %dma_start3A_185] : memref<16x2048xf32, #tpu.memory_space<hbm>> -> memref<1x2048xf32, #tpu.memory_space<hbm>>
        %dma_start3A_187 = tpu.memref_squeeze %dma_start3A_186 : memref<1x2048xf32, #tpu.memory_space<hbm>> -> memref<2048xf32, #tpu.memory_space<hbm>>
        %dma_start3A_188 = arith.constant 0 : i32
        %dma_start3A_189 = tpu.memref_slice %arg3[%add3A_49, %dma_start3A_188] : memref<16x2048xf32, #tpu.memory_space<hbm>> -> memref<1x2048xf32, #tpu.memory_space<hbm>>
        %dma_start3A_190 = tpu.memref_squeeze %dma_start3A_189 : memref<1x2048xf32, #tpu.memory_space<hbm>> -> memref<2048xf32, #tpu.memory_space<hbm>>
        tpu.enqueue_dma source(%dma_start3A_190 : memref<2048xf32, #tpu.memory_space<hbm>>) target(%arg8 : memref<2048xf32, #tpu.memory_space<vmem>>) target_semaphore(%run_scoped3A : memref<!tpu.dma_semaphore, #tpu.memory_space<semaphore_mem>>)
        %dma_wait3A_191 = arith.constant 0 : i32
        %dma_wait3A_192 = tpu.memref_slice %arg3[%add3A_49, %dma_wait3A_191] : memref<16x2048xf32, #tpu.memory_space<hbm>> -> memref<1x2048xf32, #tpu.memory_space<hbm>>
        %dma_wait3A_193 = tpu.memref_squeeze %dma_wait3A_192 : memref<1x2048xf32, #tpu.memory_space<hbm>> -> memref<2048xf32, #tpu.memory_space<hbm>>
        %dma_wait3A_194 = arith.constant 0 : i32
        %dma_wait3A_195 = tpu.memref_slice %arg3[%add3A_49, %dma_wait3A_194] : memref<16x2048xf32, #tpu.memory_space<hbm>> -> memref<1x2048xf32, #tpu.memory_space<hbm>>
        %dma_wait3A_196 = tpu.memref_squeeze %dma_wait3A_195 : memref<1x2048xf32, #tpu.memory_space<hbm>> -> memref<2048xf32, #tpu.memory_space<hbm>>
        tpu.wait_dma2 semaphore(%run_scoped3A : memref<!tpu.dma_semaphore, #tpu.memory_space<semaphore_mem>>) src(%dma_wait3A_196 : memref<2048xf32, #tpu.memory_space<hbm>>) dst(%arg8 : memref<2048xf32, #tpu.memory_space<vmem>>)
        tpu.yield
      }) : () -> ()
      %broadcast_in_dim3A = arith.constant 0 : i32
      %broadcast_in_dim3A_50 = vector.broadcast %broadcast_in_dim3A : i32 to vector<16xi32>
      %broadcast_in_dim3A_51 = arith.constant 0.000000e+00 : f32
      %broadcast_in_dim3A_52 = vector.broadcast %broadcast_in_dim3A_51 : f32 to vector<16xf32>
      %swap3A = arith.constant 0 : index
      %swap3A_53 = tpu.vector_load %arg9[%swap3A] {strides = array<i32>} : memref<512xi32, #tpu.memory_space<vmem>>, vector<16xi32>,
      tpu.vector_store %arg9[%swap3A], %broadcast_in_dim3A_50 {strides = array<i32>} : memref<512xi32, #tpu.memory_space<vmem>>, vector<16xi32>,
      %swap3A_54 = arith.constant 0 : index
      %swap3A_55 = tpu.vector_load %arg10[%swap3A_54] {strides = array<i32>} : memref<512xf32, #tpu.memory_space<vmem>>, vector<16xf32>,
      tpu.vector_store %arg10[%swap3A_54], %broadcast_in_dim3A_52 {strides = array<i32>} : memref<512xf32, #tpu.memory_space<vmem>>, vector<16xf32>,
      %swap3A_56 = arith.constant 16 : index
      %swap3A_57 = tpu.vector_load %arg9[%swap3A_56] {strides = array<i32>} : memref<512xi32, #tpu.memory_space<vmem>>, vector<16xi32>,
      tpu.vector_store %arg9[%swap3A_56], %broadcast_in_dim3A_50 {strides = array<i32>} : memref<512xi32, #tpu.memory_space<vmem>>, vector<16xi32>,
      %swap3A_58 = arith.constant 16 : index
      %swap3A_59 = tpu.vector_load %arg10[%swap3A_58] {strides = array<i32>} : memref<512xf32, #tpu.memory_space<vmem>>, vector<16xf32>,
      tpu.vector_store %arg10[%swap3A_58], %broadcast_in_dim3A_52 {strides = array<i32>} : memref<512xf32, #tpu.memory_space<vmem>>, vector<16xf32>,
      %swap3A_60 = arith.constant 32 : index
      %swap3A_61 = tpu.vector_load %arg9[%swap3A_60] {strides = array<i32>} : memref<512xi32, #tpu.memory_space<vmem>>, vector<16xi32>,
      tpu.vector_store %arg9[%swap3A_60], %broadcast_in_dim3A_50 {strides = array<i32>} : memref<512xi32, #tpu.memory_space<vmem>>, vector<16xi32>,
      %swap3A_62 = arith.constant 32 : index
      %swap3A_63 = tpu.vector_load %arg10[%swap3A_62] {strides = array<i32>} : memref<512xf32, #tpu.memory_space<vmem>>, vector<16xf32>,
      tpu.vector_store %arg10[%swap3A_62], %broadcast_in_dim3A_52 {strides = array<i32>} : memref<512xf32, #tpu.memory_space<vmem>>, vector<16xf32>,
      %swap3A_64 = arith.constant 48 : index
      %swap3A_65 = tpu.vector_load %arg9[%swap3A_64] {strides = array<i32>} : memref<512xi32, #tpu.memory_space<vmem>>, vector<16xi32>,
      tpu.vector_store %arg9[%swap3A_64], %broadcast_in_dim3A_50 {strides = array<i32>} : memref<512xi32, #tpu.memory_space<vmem>>, vector<16xi32>,
      %swap3A_66 = arith.constant 48 : index
      %swap3A_67 = tpu.vector_load %arg10[%swap3A_66] {strides = array<i32>} : memref<512xf32, #tpu.memory_space<vmem>>, vector<16xf32>,
      tpu.vector_store %arg10[%swap3A_66], %broadcast_in_dim3A_52 {strides = array<i32>} : memref<512xf32, #tpu.memory_space<vmem>>, vector<16xf32>,
      %swap3A_68 = arith.constant 64 : index
      %swap3A_69 = tpu.vector_load %arg9[%swap3A_68] {strides = array<i32>} : memref<512xi32, #tpu.memory_space<vmem>>, vector<16xi32>,
      tpu.vector_store %arg9[%swap3A_68], %broadcast_in_dim3A_50 {strides = array<i32>} : memref<512xi32, #tpu.memory_space<vmem>>, vector<16xi32>,
      %swap3A_70 = arith.constant 64 : index
      %swap3A_71 = tpu.vector_load %arg10[%swap3A_70] {strides = array<i32>} : memref<512xf32, #tpu.memory_space<vmem>>, vector<16xf32>,
      tpu.vector_store %arg10[%swap3A_70], %broadcast_in_dim3A_52 {strides = array<i32>} : memref<512xf32, #tpu.memory_space<vmem>>, vector<16xf32>,
      %swap3A_72 = arith.constant 80 : index
      %swap3A_73 = tpu.vector_load %arg9[%swap3A_72] {strides = array<i32>} : memref<512xi32, #tpu.memory_space<vmem>>, vector<16xi32>,
      tpu.vector_store %arg9[%swap3A_72], %broadcast_in_dim3A_50 {strides = array<i32>} : memref<512xi32, #tpu.memory_space<vmem>>, vector<16xi32>,
      %swap3A_74 = arith.constant 80 : index
      %swap3A_75 = tpu.vector_load %arg10[%swap3A_74] {strides = array<i32>} : memref<512xf32, #tpu.memory_space<vmem>>, vector<16xf32>,
      tpu.vector_store %arg10[%swap3A_74], %broadcast_in_dim3A_52 {strides = array<i32>} : memref<512xf32, #tpu.memory_space<vmem>>, vector<16xf32>,
      %swap3A_76 = arith.constant 96 : index
      %swap3A_77 = tpu.vector_load %arg9[%swap3A_76] {strides = array<i32>} : memref<512xi32, #tpu.memory_space<vmem>>, vector<16xi32>,
      tpu.vector_store %arg9[%swap3A_76], %broadcast_in_dim3A_50 {strides = array<i32>} : memref<512xi32, #tpu.memory_space<vmem>>, vector<16xi32>,
      %swap3A_78 = arith.constant 96 : index
      %swap3A_79 = tpu.vector_load %arg10[%swap3A_78] {strides = array<i32>} : memref<512xf32, #tpu.memory_space<vmem>>, vector<16xf32>,
      tpu.vector_store %arg10[%swap3A_78], %broadcast_in_dim3A_52 {strides = array<i32>} : memref<512xf32, #tpu.memory_space<vmem>>, vector<16xf32>,
      %swap3A_80 = arith.constant 112 : index
      %swap3A_81 = tpu.vector_load %arg9[%swap3A_80] {strides = array<i32>} : memref<512xi32, #tpu.memory_space<vmem>>, vector<16xi32>,
      tpu.vector_store %arg9[%swap3A_80], %broadcast_in_dim3A_50 {strides = array<i32>} : memref<512xi32, #tpu.memory_space<vmem>>, vector<16xi32>,
      %swap3A_82 = arith.constant 112 : index
      %swap3A_83 = tpu.vector_load %arg10[%swap3A_82] {strides = array<i32>} : memref<512xf32, #tpu.memory_space<vmem>>, vector<16xf32>,
      tpu.vector_store %arg10[%swap3A_82], %broadcast_in_dim3A_52 {strides = array<i32>} : memref<512xf32, #tpu.memory_space<vmem>>, vector<16xf32>,
      %swap3A_84 = arith.constant 128 : index
      %swap3A_85 = tpu.vector_load %arg9[%swap3A_84] {strides = array<i32>} : memref<512xi32, #tpu.memory_space<vmem>>, vector<16xi32>,
      tpu.vector_store %arg9[%swap3A_84], %broadcast_in_dim3A_50 {strides = array<i32>} : memref<512xi32, #tpu.memory_space<vmem>>, vector<16xi32>,
      %swap3A_86 = arith.constant 128 : index
      %swap3A_87 = tpu.vector_load %arg10[%swap3A_86] {strides = array<i32>} : memref<512xf32, #tpu.memory_space<vmem>>, vector<16xf32>,
      tpu.vector_store %arg10[%swap3A_86], %broadcast_in_dim3A_52 {strides = array<i32>} : memref<512xf32, #tpu.memory_space<vmem>>, vector<16xf32>,
      %swap3A_88 = arith.constant 144 : index
      %swap3A_89 = tpu.vector_load %arg9[%swap3A_88] {strides = array<i32>} : memref<512xi32, #tpu.memory_space<vmem>>, vector<16xi32>,
      tpu.vector_store %arg9[%swap3A_88], %broadcast_in_dim3A_50 {strides = array<i32>} : memref<512xi32, #tpu.memory_space<vmem>>, vector<16xi32>,
      %swap3A_90 = arith.constant 144 : index
      %swap3A_91 = tpu.vector_load %arg10[%swap3A_90] {strides = array<i32>} : memref<512xf32, #tpu.memory_space<vmem>>, vector<16xf32>,
      tpu.vector_store %arg10[%swap3A_90], %broadcast_in_dim3A_52 {strides = array<i32>} : memref<512xf32, #tpu.memory_space<vmem>>, vector<16xf32>,
      %swap3A_92 = arith.constant 160 : index
      %swap3A_93 = tpu.vector_load %arg9[%swap3A_92] {strides = array<i32>} : memref<512xi32, #tpu.memory_space<vmem>>, vector<16xi32>,
      tpu.vector_store %arg9[%swap3A_92], %broadcast_in_dim3A_50 {strides = array<i32>} : memref<512xi32, #tpu.memory_space<vmem>>, vector<16xi32>,
      %swap3A_94 = arith.constant 160 : index
      %swap3A_95 = tpu.vector_load %arg10[%swap3A_94] {strides = array<i32>} : memref<512xf32, #tpu.memory_space<vmem>>, vector<16xf32>,
      tpu.vector_store %arg10[%swap3A_94], %broadcast_in_dim3A_52 {strides = array<i32>} : memref<512xf32, #tpu.memory_space<vmem>>, vector<16xf32>,
      %swap3A_96 = arith.constant 176 : index
      %swap3A_97 = tpu.vector_load %arg9[%swap3A_96] {strides = array<i32>} : memref<512xi32, #tpu.memory_space<vmem>>, vector<16xi32>,
      tpu.vector_store %arg9[%swap3A_96], %broadcast_in_dim3A_50 {strides = array<i32>} : memref<512xi32, #tpu.memory_space<vmem>>, vector<16xi32>,
      %swap3A_98 = arith.constant 176 : index
      %swap3A_99 = tpu.vector_load %arg10[%swap3A_98] {strides = array<i32>} : memref<512xf32, #tpu.memory_space<vmem>>, vector<16xf32>,
      tpu.vector_store %arg10[%swap3A_98], %broadcast_in_dim3A_52 {strides = array<i32>} : memref<512xf32, #tpu.memory_space<vmem>>, vector<16xf32>,
      %swap3A_100 = arith.constant 192 : index
      %swap3A_101 = tpu.vector_load %arg9[%swap3A_100] {strides = array<i32>} : memref<512xi32, #tpu.memory_space<vmem>>, vector<16xi32>,
      tpu.vector_store %arg9[%swap3A_100], %broadcast_in_dim3A_50 {strides = array<i32>} : memref<512xi32, #tpu.memory_space<vmem>>, vector<16xi32>,
      %swap3A_102 = arith.constant 192 : index
      %swap3A_103 = tpu.vector_load %arg10[%swap3A_102] {strides = array<i32>} : memref<512xf32, #tpu.memory_space<vmem>>, vector<16xf32>,
      tpu.vector_store %arg10[%swap3A_102], %broadcast_in_dim3A_52 {strides = array<i32>} : memref<512xf32, #tpu.memory_space<vmem>>, vector<16xf32>,
      %swap3A_104 = arith.constant 208 : index
      %swap3A_105 = tpu.vector_load %arg9[%swap3A_104] {strides = array<i32>} : memref<512xi32, #tpu.memory_space<vmem>>, vector<16xi32>,
      tpu.vector_store %arg9[%swap3A_104], %broadcast_in_dim3A_50 {strides = array<i32>} : memref<512xi32, #tpu.memory_space<vmem>>, vector<16xi32>,
      %swap3A_106 = arith.constant 208 : index
      %swap3A_107 = tpu.vector_load %arg10[%swap3A_106] {strides = array<i32>} : memref<512xf32, #tpu.memory_space<vmem>>, vector<16xf32>,
      tpu.vector_store %arg10[%swap3A_106], %broadcast_in_dim3A_52 {strides = array<i32>} : memref<512xf32, #tpu.memory_space<vmem>>, vector<16xf32>,
      %swap3A_108 = arith.constant 224 : index
      %swap3A_109 = tpu.vector_load %arg9[%swap3A_108] {strides = array<i32>} : memref<512xi32, #tpu.memory_space<vmem>>, vector<16xi32>,
      tpu.vector_store %arg9[%swap3A_108], %broadcast_in_dim3A_50 {strides = array<i32>} : memref<512xi32, #tpu.memory_space<vmem>>, vector<16xi32>,
      %swap3A_110 = arith.constant 224 : index
      %swap3A_111 = tpu.vector_load %arg10[%swap3A_110] {strides = array<i32>} : memref<512xf32, #tpu.memory_space<vmem>>, vector<16xf32>,
      tpu.vector_store %arg10[%swap3A_110], %broadcast_in_dim3A_52 {strides = array<i32>} : memref<512xf32, #tpu.memory_space<vmem>>, vector<16xf32>,
      %swap3A_112 = arith.constant 240 : index
      %swap3A_113 = tpu.vector_load %arg9[%swap3A_112] {strides = array<i32>} : memref<512xi32, #tpu.memory_space<vmem>>, vector<16xi32>,
      tpu.vector_store %arg9[%swap3A_112], %broadcast_in_dim3A_50 {strides = array<i32>} : memref<512xi32, #tpu.memory_space<vmem>>, vector<16xi32>,
      %swap3A_114 = arith.constant 240 : index
      %swap3A_115 = tpu.vector_load %arg10[%swap3A_114] {strides = array<i32>} : memref<512xf32, #tpu.memory_space<vmem>>, vector<16xf32>,
      tpu.vector_store %arg10[%swap3A_114], %broadcast_in_dim3A_52 {strides = array<i32>} : memref<512xf32, #tpu.memory_space<vmem>>, vector<16xf32>,
      %swap3A_116 = arith.constant 256 : index
      %swap3A_117 = tpu.vector_load %arg9[%swap3A_116] {strides = array<i32>} : memref<512xi32, #tpu.memory_space<vmem>>, vector<16xi32>,
      tpu.vector_store %arg9[%swap3A_116], %broadcast_in_dim3A_50 {strides = array<i32>} : memref<512xi32, #tpu.memory_space<vmem>>, vector<16xi32>,
      %swap3A_118 = arith.constant 256 : index
      %swap3A_119 = tpu.vector_load %arg10[%swap3A_118] {strides = array<i32>} : memref<512xf32, #tpu.memory_space<vmem>>, vector<16xf32>,
      tpu.vector_store %arg10[%swap3A_118], %broadcast_in_dim3A_52 {strides = array<i32>} : memref<512xf32, #tpu.memory_space<vmem>>, vector<16xf32>,
      %swap3A_120 = arith.constant 272 : index
      %swap3A_121 = tpu.vector_load %arg9[%swap3A_120] {strides = array<i32>} : memref<512xi32, #tpu.memory_space<vmem>>, vector<16xi32>,
      tpu.vector_store %arg9[%swap3A_120], %broadcast_in_dim3A_50 {strides = array<i32>} : memref<512xi32, #tpu.memory_space<vmem>>, vector<16xi32>,
      %swap3A_122 = arith.constant 272 : index
      %swap3A_123 = tpu.vector_load %arg10[%swap3A_122] {strides = array<i32>} : memref<512xf32, #tpu.memory_space<vmem>>, vector<16xf32>,
      tpu.vector_store %arg10[%swap3A_122], %broadcast_in_dim3A_52 {strides = array<i32>} : memref<512xf32, #tpu.memory_space<vmem>>, vector<16xf32>,
      %swap3A_124 = arith.constant 288 : index
      %swap3A_125 = tpu.vector_load %arg9[%swap3A_124] {strides = array<i32>} : memref<512xi32, #tpu.memory_space<vmem>>, vector<16xi32>,
      tpu.vector_store %arg9[%swap3A_124], %broadcast_in_dim3A_50 {strides = array<i32>} : memref<512xi32, #tpu.memory_space<vmem>>, vector<16xi32>,
      %swap3A_126 = arith.constant 288 : index
      %swap3A_127 = tpu.vector_load %arg10[%swap3A_126] {strides = array<i32>} : memref<512xf32, #tpu.memory_space<vmem>>, vector<16xf32>,
      tpu.vector_store %arg10[%swap3A_126], %broadcast_in_dim3A_52 {strides = array<i32>} : memref<512xf32, #tpu.memory_space<vmem>>, vector<16xf32>,
      %swap3A_128 = arith.constant 304 : index
      %swap3A_129 = tpu.vector_load %arg9[%swap3A_128] {strides = array<i32>} : memref<512xi32, #tpu.memory_space<vmem>>, vector<16xi32>,
      tpu.vector_store %arg9[%swap3A_128], %broadcast_in_dim3A_50 {strides = array<i32>} : memref<512xi32, #tpu.memory_space<vmem>>, vector<16xi32>,
      %swap3A_130 = arith.constant 304 : index
      %swap3A_131 = tpu.vector_load %arg10[%swap3A_130] {strides = array<i32>} : memref<512xf32, #tpu.memory_space<vmem>>, vector<16xf32>,
      tpu.vector_store %arg10[%swap3A_130], %broadcast_in_dim3A_52 {strides = array<i32>} : memref<512xf32, #tpu.memory_space<vmem>>, vector<16xf32>,
      %swap3A_132 = arith.constant 320 : index
      %swap3A_133 = tpu.vector_load %arg9[%swap3A_132] {strides = array<i32>} : memref<512xi32, #tpu.memory_space<vmem>>, vector<16xi32>,
      tpu.vector_store %arg9[%swap3A_132], %broadcast_in_dim3A_50 {strides = array<i32>} : memref<512xi32, #tpu.memory_space<vmem>>, vector<16xi32>,
      %swap3A_134 = arith.constant 320 : index
      %swap3A_135 = tpu.vector_load %arg10[%swap3A_134] {strides = array<i32>} : memref<512xf32, #tpu.memory_space<vmem>>, vector<16xf32>,
      tpu.vector_store %arg10[%swap3A_134], %broadcast_in_dim3A_52 {strides = array<i32>} : memref<512xf32, #tpu.memory_space<vmem>>, vector<16xf32>,
      %swap3A_136 = arith.constant 336 : index
      %swap3A_137 = tpu.vector_load %arg9[%swap3A_136] {strides = array<i32>} : memref<512xi32, #tpu.memory_space<vmem>>, vector<16xi32>,
      tpu.vector_store %arg9[%swap3A_136], %broadcast_in_dim3A_50 {strides = array<i32>} : memref<512xi32, #tpu.memory_space<vmem>>, vector<16xi32>,
      %swap3A_138 = arith.constant 336 : index
      %swap3A_139 = tpu.vector_load %arg10[%swap3A_138] {strides = array<i32>} : memref<512xf32, #tpu.memory_space<vmem>>, vector<16xf32>,
      tpu.vector_store %arg10[%swap3A_138], %broadcast_in_dim3A_52 {strides = array<i32>} : memref<512xf32, #tpu.memory_space<vmem>>, vector<16xf32>,
      %swap3A_140 = arith.constant 352 : index
      %swap3A_141 = tpu.vector_load %arg9[%swap3A_140] {strides = array<i32>} : memref<512xi32, #tpu.memory_space<vmem>>, vector<16xi32>,
      tpu.vector_store %arg9[%swap3A_140], %broadcast_in_dim3A_50 {strides = array<i32>} : memref<512xi32, #tpu.memory_space<vmem>>, vector<16xi32>,
      %swap3A_142 = arith.constant 352 : index
      %swap3A_143 = tpu.vector_load %arg10[%swap3A_142] {strides = array<i32>} : memref<512xf32, #tpu.memory_space<vmem>>, vector<16xf32>,
      tpu.vector_store %arg10[%swap3A_142], %broadcast_in_dim3A_52 {strides = array<i32>} : memref<512xf32, #tpu.memory_space<vmem>>, vector<16xf32>,
      %swap3A_144 = arith.constant 368 : index
      %swap3A_145 = tpu.vector_load %arg9[%swap3A_144] {strides = array<i32>} : memref<512xi32, #tpu.memory_space<vmem>>, vector<16xi32>,
      tpu.vector_store %arg9[%swap3A_144], %broadcast_in_dim3A_50 {strides = array<i32>} : memref<512xi32, #tpu.memory_space<vmem>>, vector<16xi32>,
      %swap3A_146 = arith.constant 368 : index
      %swap3A_147 = tpu.vector_load %arg10[%swap3A_146] {strides = array<i32>} : memref<512xf32, #tpu.memory_space<vmem>>, vector<16xf32>,
      tpu.vector_store %arg10[%swap3A_146], %broadcast_in_dim3A_52 {strides = array<i32>} : memref<512xf32, #tpu.memory_space<vmem>>, vector<16xf32>,
      %swap3A_148 = arith.constant 384 : index
      %swap3A_149 = tpu.vector_load %arg9[%swap3A_148] {strides = array<i32>} : memref<512xi32, #tpu.memory_space<vmem>>, vector<16xi32>,
      tpu.vector_store %arg9[%swap3A_148], %broadcast_in_dim3A_50 {strides = array<i32>} : memref<512xi32, #tpu.memory_space<vmem>>, vector<16xi32>,
      %swap3A_150 = arith.constant 384 : index
      %swap3A_151 = tpu.vector_load %arg10[%swap3A_150] {strides = array<i32>} : memref<512xf32, #tpu.memory_space<vmem>>, vector<16xf32>,
      tpu.vector_store %arg10[%swap3A_150], %broadcast_in_dim3A_52 {strides = array<i32>} : memref<512xf32, #tpu.memory_space<vmem>>, vector<16xf32>,
      %swap3A_152 = arith.constant 400 : index
      %swap3A_153 = tpu.vector_load %arg9[%swap3A_152] {strides = array<i32>} : memref<512xi32, #tpu.memory_space<vmem>>, vector<16xi32>,
      tpu.vector_store %arg9[%swap3A_152], %broadcast_in_dim3A_50 {strides = array<i32>} : memref<512xi32, #tpu.memory_space<vmem>>, vector<16xi32>,
      %swap3A_154 = arith.constant 400 : index
      %swap3A_155 = tpu.vector_load %arg10[%swap3A_154] {strides = array<i32>} : memref<512xf32, #tpu.memory_space<vmem>>, vector<16xf32>,
      tpu.vector_store %arg10[%swap3A_154], %broadcast_in_dim3A_52 {strides = array<i32>} : memref<512xf32, #tpu.memory_space<vmem>>, vector<16xf32>,
      %swap3A_156 = arith.constant 416 : index
      %swap3A_157 = tpu.vector_load %arg9[%swap3A_156] {strides = array<i32>} : memref<512xi32, #tpu.memory_space<vmem>>, vector<16xi32>,
      tpu.vector_store %arg9[%swap3A_156], %broadcast_in_dim3A_50 {strides = array<i32>} : memref<512xi32, #tpu.memory_space<vmem>>, vector<16xi32>,
      %swap3A_158 = arith.constant 416 : index
      %swap3A_159 = tpu.vector_load %arg10[%swap3A_158] {strides = array<i32>} : memref<512xf32, #tpu.memory_space<vmem>>, vector<16xf32>,
      tpu.vector_store %arg10[%swap3A_158], %broadcast_in_dim3A_52 {strides = array<i32>} : memref<512xf32, #tpu.memory_space<vmem>>, vector<16xf32>,
      %swap3A_160 = arith.constant 432 : index
      %swap3A_161 = tpu.vector_load %arg9[%swap3A_160] {strides = array<i32>} : memref<512xi32, #tpu.memory_space<vmem>>, vector<16xi32>,
      tpu.vector_store %arg9[%swap3A_160], %broadcast_in_dim3A_50 {strides = array<i32>} : memref<512xi32, #tpu.memory_space<vmem>>, vector<16xi32>,
      %swap3A_162 = arith.constant 432 : index
      %swap3A_163 = tpu.vector_load %arg10[%swap3A_162] {strides = array<i32>} : memref<512xf32, #tpu.memory_space<vmem>>, vector<16xf32>,
      tpu.vector_store %arg10[%swap3A_162], %broadcast_in_dim3A_52 {strides = array<i32>} : memref<512xf32, #tpu.memory_space<vmem>>, vector<16xf32>,
      %swap3A_164 = arith.constant 448 : index
      %swap3A_165 = tpu.vector_load %arg9[%swap3A_164] {strides = array<i32>} : memref<512xi32, #tpu.memory_space<vmem>>, vector<16xi32>,
      tpu.vector_store %arg9[%swap3A_164], %broadcast_in_dim3A_50 {strides = array<i32>} : memref<512xi32, #tpu.memory_space<vmem>>, vector<16xi32>,
      %swap3A_166 = arith.constant 448 : index
      %swap3A_167 = tpu.vector_load %arg10[%swap3A_166] {strides = array<i32>} : memref<512xf32, #tpu.memory_space<vmem>>, vector<16xf32>,
      tpu.vector_store %arg10[%swap3A_166], %broadcast_in_dim3A_52 {strides = array<i32>} : memref<512xf32, #tpu.memory_space<vmem>>, vector<16xf32>,
      %swap3A_168 = arith.constant 464 : index
      %swap3A_169 = tpu.vector_load %arg9[%swap3A_168] {strides = array<i32>} : memref<512xi32, #tpu.memory_space<vmem>>, vector<16xi32>,
      tpu.vector_store %arg9[%swap3A_168], %broadcast_in_dim3A_50 {strides = array<i32>} : memref<512xi32, #tpu.memory_space<vmem>>, vector<16xi32>,
      %swap3A_170 = arith.constant 464 : index
      %swap3A_171 = tpu.vector_load %arg10[%swap3A_170] {strides = array<i32>} : memref<512xf32, #tpu.memory_space<vmem>>, vector<16xf32>,
      tpu.vector_store %arg10[%swap3A_170], %broadcast_in_dim3A_52 {strides = array<i32>} : memref<512xf32, #tpu.memory_space<vmem>>, vector<16xf32>,
      %swap3A_172 = arith.constant 480 : index
      %swap3A_173 = tpu.vector_load %arg9[%swap3A_172] {strides = array<i32>} : memref<512xi32, #tpu.memory_space<vmem>>, vector<16xi32>,
      tpu.vector_store %arg9[%swap3A_172], %broadcast_in_dim3A_50 {strides = array<i32>} : memref<512xi32, #tpu.memory_space<vmem>>, vector<16xi32>,
      %swap3A_174 = arith.constant 480 : index
      %swap3A_175 = tpu.vector_load %arg10[%swap3A_174] {strides = array<i32>} : memref<512xf32, #tpu.memory_space<vmem>>, vector<16xf32>,
      tpu.vector_store %arg10[%swap3A_174], %broadcast_in_dim3A_52 {strides = array<i32>} : memref<512xf32, #tpu.memory_space<vmem>>, vector<16xf32>,
      %swap3A_176 = arith.constant 496 : index
      %swap3A_177 = tpu.vector_load %arg9[%swap3A_176] {strides = array<i32>} : memref<512xi32, #tpu.memory_space<vmem>>, vector<16xi32>,
      tpu.vector_store %arg9[%swap3A_176], %broadcast_in_dim3A_50 {strides = array<i32>} : memref<512xi32, #tpu.memory_space<vmem>>, vector<16xi32>,
      %swap3A_178 = arith.constant 496 : index
      %swap3A_179 = tpu.vector_load %arg10[%swap3A_178] {strides = array<i32>} : memref<512xf32, #tpu.memory_space<vmem>>, vector<16xf32>,
      tpu.vector_store %arg10[%swap3A_178], %broadcast_in_dim3A_52 {strides = array<i32>} : memref<512xf32, #tpu.memory_space<vmem>>, vector<16xf32>,
      %scan3A = arith.constant 0 : i32
      %scan3A_180 = arith.constant 0 : i32
      %scan3A_181 = arith.constant 128 : i32
      %scan3A_182 = arith.addi %scan3A_180, %scan3A_181 : i32
      %scan3A_183 = arith.constant 1 : i32
      scf.for %scan3A_185 = %scan3A_180 to %scan3A_182 step %scan3A_183  : i32 {
        %mul3A_186 = arith.constant 16 : i32
        %mul3A_187 = arith.muli %scan3A_185, %mul3A_186 : i32
        %get3A = arith.index_cast %mul3A_187 : i32 to index
        %get3A_188 = tpu.vector_load %arg8[%get3A] {strides = array<i32>} : memref<2048xf32, #tpu.memory_space<vmem>>, vector<16xf32>,
        %ge3A = arith.constant 0.000000e+00 : f32
        %ge3A_189 = vector.broadcast %ge3A : f32 to vector<16xf32>
        %ge3A_190 = arith.cmpf oge, %get3A_188, %ge3A_189 : vector<16xf32>
        %max3A = arith.constant 0.000000e+00 : f32
        %max3A_191 = vector.broadcast %max3A : f32 to vector<16xf32>
        %max3A_192 = arith.maximumf %get3A_188, %max3A_191 : vector<16xf32>
        %convert_element_type3A_193 = arith.fptosi %max3A_192 : vector<16xf32> to vector<16xi32>
        %mul3A_194 = arith.constant 16 : i32
        %mul3A_195 = arith.muli %scan3A_185, %mul3A_194 : i32
        %get3A_196 = arith.index_cast %mul3A_195 : i32 to index
        %get3A_197 = tpu.vector_load %arg7[%get3A_196] {strides = array<i32>} : memref<2048xf32, #tpu.memory_space<vmem>>, vector<16xf32>,
        %mul3A_198 = arith.constant 16 : i32
        %mul3A_199 = arith.muli %scan3A_185, %mul3A_198 : i32
        %add3A_200 = vector.broadcast %mul3A_199 : i32 to vector<16xi32>
        %add3A_201 = arith.addi %iota3A, %add3A_200 : vector<16xi32>
        tpu.vector_store_idx %arg9[%convert_element_type3A_193], %add3A_201 masked %ge3A_190 : memref<512xi32, #tpu.memory_space<vmem>>[vector<16xi32>], vector<16xi32>, vector<16xi1>
        tpu.vector_store_idx %arg10[%convert_element_type3A_193], %get3A_197 masked %ge3A_190 : memref<512xf32, #tpu.memory_space<vmem>>[vector<16xi32>], vector<16xf32>, vector<16xi1>
      }
      %scan3A_184 = arith.constant 128 : i32
      "tpu.region"() ({
        %run_scoped3A = tpu.sem_alloc : memref<!tpu.dma_semaphore, #tpu.memory_space<semaphore_mem>>
        %dma_start3A_185 = arith.constant 0 : i32
        %dma_start3A_186 = tpu.memref_slice %arg13[%arg1, %dma_start3A_185] : memref<4x512xi32, #tpu.memory_space<vmem_shared>> -> memref<1x512xi32, #tpu.memory_space<vmem_shared>>
        %dma_start3A_187 = tpu.memref_squeeze %dma_start3A_186 : memref<1x512xi32, #tpu.memory_space<vmem_shared>> -> memref<512xi32, #tpu.memory_space<vmem_shared>>
        %dma_start3A_188 = arith.constant 0 : i32
        %dma_start3A_189 = tpu.memref_slice %arg13[%arg1, %dma_start3A_188] : memref<4x512xi32, #tpu.memory_space<vmem_shared>> -> memref<1x512xi32, #tpu.memory_space<vmem_shared>>
        %dma_start3A_190 = tpu.memref_squeeze %dma_start3A_189 : memref<1x512xi32, #tpu.memory_space<vmem_shared>> -> memref<512xi32, #tpu.memory_space<vmem_shared>>
        tpu.enqueue_dma source(%arg9 : memref<512xi32, #tpu.memory_space<vmem>>) target(%dma_start3A_190 : memref<512xi32, #tpu.memory_space<vmem_shared>>) target_semaphore(%run_scoped3A : memref<!tpu.dma_semaphore, #tpu.memory_space<semaphore_mem>>)
        %dma_wait3A_191 = arith.constant 0 : i32
        %dma_wait3A_192 = tpu.memref_slice %arg13[%arg1, %dma_wait3A_191] : memref<4x512xi32, #tpu.memory_space<vmem_shared>> -> memref<1x512xi32, #tpu.memory_space<vmem_shared>>
        %dma_wait3A_193 = tpu.memref_squeeze %dma_wait3A_192 : memref<1x512xi32, #tpu.memory_space<vmem_shared>> -> memref<512xi32, #tpu.memory_space<vmem_shared>>
        %dma_wait3A_194 = arith.constant 0 : i32
        %dma_wait3A_195 = tpu.memref_slice %arg13[%arg1, %dma_wait3A_194] : memref<4x512xi32, #tpu.memory_space<vmem_shared>> -> memref<1x512xi32, #tpu.memory_space<vmem_shared>>
        %dma_wait3A_196 = tpu.memref_squeeze %dma_wait3A_195 : memref<1x512xi32, #tpu.memory_space<vmem_shared>> -> memref<512xi32, #tpu.memory_space<vmem_shared>>
        tpu.wait_dma2 semaphore(%run_scoped3A : memref<!tpu.dma_semaphore, #tpu.memory_space<semaphore_mem>>) src(%arg9 : memref<512xi32, #tpu.memory_space<vmem>>) dst(%dma_wait3A_196 : memref<512xi32, #tpu.memory_space<vmem_shared>>)
        tpu.yield
      }) : () -> ()
      "tpu.region"() ({
        %run_scoped3A = tpu.sem_alloc : memref<!tpu.dma_semaphore, #tpu.memory_space<semaphore_mem>>
        %dma_start3A_185 = arith.constant 0 : i32
        %dma_start3A_186 = tpu.memref_slice %arg5[%add3A_47, %dma_start3A_185] : memref<8x512xi32, #tpu.memory_space<hbm>> -> memref<1x512xi32, #tpu.memory_space<hbm>>
        %dma_start3A_187 = tpu.memref_squeeze %dma_start3A_186 : memref<1x512xi32, #tpu.memory_space<hbm>> -> memref<512xi32, #tpu.memory_space<hbm>>
        %dma_start3A_188 = arith.constant 0 : i32
        %dma_start3A_189 = tpu.memref_slice %arg5[%add3A_47, %dma_start3A_188] : memref<8x512xi32, #tpu.memory_space<hbm>> -> memref<1x512xi32, #tpu.memory_space<hbm>>
        %dma_start3A_190 = tpu.memref_squeeze %dma_start3A_189 : memref<1x512xi32, #tpu.memory_space<hbm>> -> memref<512xi32, #tpu.memory_space<hbm>>
        tpu.enqueue_dma source(%arg9 : memref<512xi32, #tpu.memory_space<vmem>>) target(%dma_start3A_190 : memref<512xi32, #tpu.memory_space<hbm>>) target_semaphore(%run_scoped3A : memref<!tpu.dma_semaphore, #tpu.memory_space<semaphore_mem>>)
        %dma_wait3A_191 = arith.constant 0 : i32
        %dma_wait3A_192 = tpu.memref_slice %arg5[%add3A_47, %dma_wait3A_191] : memref<8x512xi32, #tpu.memory_space<hbm>> -> memref<1x512xi32, #tpu.memory_space<hbm>>
        %dma_wait3A_193 = tpu.memref_squeeze %dma_wait3A_192 : memref<1x512xi32, #tpu.memory_space<hbm>> -> memref<512xi32, #tpu.memory_space<hbm>>
        %dma_wait3A_194 = arith.constant 0 : i32
        %dma_wait3A_195 = tpu.memref_slice %arg5[%add3A_47, %dma_wait3A_194] : memref<8x512xi32, #tpu.memory_space<hbm>> -> memref<1x512xi32, #tpu.memory_space<hbm>>
        %dma_wait3A_196 = tpu.memref_squeeze %dma_wait3A_195 : memref<1x512xi32, #tpu.memory_space<hbm>> -> memref<512xi32, #tpu.memory_space<hbm>>
        tpu.wait_dma2 semaphore(%run_scoped3A : memref<!tpu.dma_semaphore, #tpu.memory_space<semaphore_mem>>) src(%arg9 : memref<512xi32, #tpu.memory_space<vmem>>) dst(%dma_wait3A_196 : memref<512xi32, #tpu.memory_space<hbm>>)
        tpu.yield
      }) : () -> ()
      "tpu.region"() ({
        %run_scoped3A = tpu.sem_alloc : memref<!tpu.dma_semaphore, #tpu.memory_space<semaphore_mem>>
        %dma_start3A_185 = arith.constant 0 : i32
        %dma_start3A_186 = tpu.memref_slice %arg6[%add3A_47, %dma_start3A_185] : memref<8x512xf32, #tpu.memory_space<hbm>> -> memref<1x512xf32, #tpu.memory_space<hbm>>
        %dma_start3A_187 = tpu.memref_squeeze %dma_start3A_186 : memref<1x512xf32, #tpu.memory_space<hbm>> -> memref<512xf32, #tpu.memory_space<hbm>>
        %dma_start3A_188 = arith.constant 0 : i32
        %dma_start3A_189 = tpu.memref_slice %arg6[%add3A_47, %dma_start3A_188] : memref<8x512xf32, #tpu.memory_space<hbm>> -> memref<1x512xf32, #tpu.memory_space<hbm>>
        %dma_start3A_190 = tpu.memref_squeeze %dma_start3A_189 : memref<1x512xf32, #tpu.memory_space<hbm>> -> memref<512xf32, #tpu.memory_space<hbm>>
        tpu.enqueue_dma source(%arg10 : memref<512xf32, #tpu.memory_space<vmem>>) target(%dma_start3A_190 : memref<512xf32, #tpu.memory_space<hbm>>) target_semaphore(%run_scoped3A : memref<!tpu.dma_semaphore, #tpu.memory_space<semaphore_mem>>)
        %dma_wait3A_191 = arith.constant 0 : i32
        %dma_wait3A_192 = tpu.memref_slice %arg6[%add3A_47, %dma_wait3A_191] : memref<8x512xf32, #tpu.memory_space<hbm>> -> memref<1x512xf32, #tpu.memory_space<hbm>>
        %dma_wait3A_193 = tpu.memref_squeeze %dma_wait3A_192 : memref<1x512xf32, #tpu.memory_space<hbm>> -> memref<512xf32, #tpu.memory_space<hbm>>
        %dma_wait3A_194 = arith.constant 0 : i32
        %dma_wait3A_195 = tpu.memref_slice %arg6[%add3A_47, %dma_wait3A_194] : memref<8x512xf32, #tpu.memory_space<hbm>> -> memref<1x512xf32, #tpu.memory_space<hbm>>
        %dma_wait3A_196 = tpu.memref_squeeze %dma_wait3A_195 : memref<1x512xf32, #tpu.memory_space<hbm>> -> memref<512xf32, #tpu.memory_space<hbm>>
        tpu.wait_dma2 semaphore(%run_scoped3A : memref<!tpu.dma_semaphore, #tpu.memory_space<semaphore_mem>>) src(%arg10 : memref<512xf32, #tpu.memory_space<vmem>>) dst(%dma_wait3A_196 : memref<512xf32, #tpu.memory_space<hbm>>)
        tpu.yield
      }) : () -> ()
    } else {
    }
    %barrier3A = arith.constant 0 : index
    tpu.barrier barrier_id(%barrier3A)
    %jit3A = arith.constant 4 : i32
    %div3A = arith.divsi %arg1, %jit3A : i32
    %sign3A = arith.constant 0 : i32
    %sign3A_2 = arith.cmpi sgt, %arg1, %sign3A : i32
    %sign3A_3 = arith.extui %sign3A_2 : i1 to i32
    %sign3A_4 = arith.constant 0 : i32
    %sign3A_5 = arith.cmpi slt, %arg1, %sign3A_4 : i32
    %sign3A_6 = arith.extui %sign3A_5 : i1 to i32
    %sign3A_7 = arith.subi %sign3A_3, %sign3A_6 : i32
    %sign3A_8 = arith.constant 0 : i32
    %sign3A_9 = arith.cmpi sgt, %jit3A, %sign3A_8 : i32
    %sign3A_10 = arith.extui %sign3A_9 : i1 to i32
    %sign3A_11 = arith.constant 0 : i32
    %sign3A_12 = arith.cmpi slt, %jit3A, %sign3A_11 : i32
    %sign3A_13 = arith.extui %sign3A_12 : i1 to i32
    %sign3A_14 = arith.subi %sign3A_10, %sign3A_13 : i32
    %ne3A = arith.cmpi ne, %sign3A_7, %sign3A_14 : i32
    %rem3A = arith.remsi %arg1, %jit3A : i32
    %ne3A_15 = arith.constant 0 : i32
    %ne3A_16 = arith.cmpi ne, %rem3A, %ne3A_15 : i32
    %and3A = arith.andi %ne3A, %ne3A_16 : i1
    %sub3A = arith.constant 1 : i32
    %sub3A_17 = arith.subi %div3A, %sub3A : i32
    %select_n3A = arith.select %and3A, %sub3A_17, %div3A : i32
    %jit3A_18 = arith.constant 4 : i32
    %eq3A = arith.constant 0 : i32
    %eq3A_19 = arith.cmpi eq, %jit3A_18, %eq3A : i32
    %jit3A_20 = arith.constant 1 : i32
    %select_n3A_21 = arith.select %eq3A_19, %jit3A_20, %jit3A_18 : i32
    %rem3A_22 = arith.remsi %arg1, %select_n3A_21 : i32
    %ne3A_23 = arith.constant 0 : i32
    %ne3A_24 = arith.cmpi ne, %rem3A_22, %ne3A_23 : i32
    %lt3A_25 = arith.constant 0 : i32
    %lt3A_26 = arith.cmpi slt, %rem3A_22, %lt3A_25 : i32
    %lt3A_27 = arith.constant 0 : i32
    %lt3A_28 = arith.cmpi slt, %select_n3A_21, %lt3A_27 : i32
    %ne3A_29 = arith.xori %lt3A_26, %lt3A_28 : i1
    %and3A_30 = arith.andi %ne3A_29, %ne3A_24 : i1
    %add3A = arith.addi %rem3A_22, %select_n3A_21 : i32
    %select_n3A_31 = arith.select %and3A_30, %add3A, %rem3A_22 : i32
    %mul3A = arith.constant 4 : i32
    %mul3A_32 = arith.muli %arg0, %mul3A : i32
    %add3A_33 = arith.addi %mul3A_32, %select_n3A : i32
    %mul3A_34 = arith.constant 128 : i32
    %mul3A_35 = arith.muli %select_n3A_31, %mul3A_34 : i32
    "tpu.region"() ({
      %run_scoped3A = tpu.sem_alloc : memref<!tpu.dma_semaphore, #tpu.memory_space<semaphore_mem>>
      %dma_start3A_45 = tpu.memref_slice %arg13[%select_n3A, %mul3A_35] : memref<4x512xi32, #tpu.memory_space<vmem_shared>> -> memref<1x128xi32, #tpu.memory_space<vmem_shared>>
      %dma_start3A_46 = tpu.memref_squeeze %dma_start3A_45 : memref<1x128xi32, #tpu.memory_space<vmem_shared>> -> memref<128xi32, #tpu.memory_space<vmem_shared>>
      %dma_start3A_47 = tpu.memref_slice %arg13[%select_n3A, %mul3A_35] : memref<4x512xi32, #tpu.memory_space<vmem_shared>> -> memref<1x128xi32, #tpu.memory_space<vmem_shared>>
      %dma_start3A_48 = tpu.memref_squeeze %dma_start3A_47 : memref<1x128xi32, #tpu.memory_space<vmem_shared>> -> memref<128xi32, #tpu.memory_space<vmem_shared>>
      tpu.enqueue_dma source(%dma_start3A_48 : memref<128xi32, #tpu.memory_space<vmem_shared>>) target(%arg11 : memref<128xi32, #tpu.memory_space<vmem>>) target_semaphore(%run_scoped3A : memref<!tpu.dma_semaphore, #tpu.memory_space<semaphore_mem>>)
      %dma_wait3A_49 = tpu.memref_slice %arg13[%select_n3A, %mul3A_35] : memref<4x512xi32, #tpu.memory_space<vmem_shared>> -> memref<1x128xi32, #tpu.memory_space<vmem_shared>>
      %dma_wait3A_50 = tpu.memref_squeeze %dma_wait3A_49 : memref<1x128xi32, #tpu.memory_space<vmem_shared>> -> memref<128xi32, #tpu.memory_space<vmem_shared>>
      %dma_wait3A_51 = tpu.memref_slice %arg13[%select_n3A, %mul3A_35] : memref<4x512xi32, #tpu.memory_space<vmem_shared>> -> memref<1x128xi32, #tpu.memory_space<vmem_shared>>
      %dma_wait3A_52 = tpu.memref_squeeze %dma_wait3A_51 : memref<1x128xi32, #tpu.memory_space<vmem_shared>> -> memref<128xi32, #tpu.memory_space<vmem_shared>>
      tpu.wait_dma2 semaphore(%run_scoped3A : memref<!tpu.dma_semaphore, #tpu.memory_space<semaphore_mem>>) src(%dma_wait3A_52 : memref<128xi32, #tpu.memory_space<vmem_shared>>) dst(%arg11 : memref<128xi32, #tpu.memory_space<vmem>>)
      tpu.yield
    }) : () -> ()
    %dma_start3A = arith.constant 0 : i32
    %dma_start3A_36 = arith.constant 0 : i32
    %dma_start3A_37 = tpu.memref_slice %arg2[%dma_start3A, %dma_start3A_36] : memref<2048x768xf32, #tpu.memory_space<hbm>> -> memref<2048x768xf32, #tpu.memory_space<hbm>>
    tpu.enqueue_indirect_dma source(%dma_start3A_37 : memref<2048x768xf32, #tpu.memory_space<hbm>>) target(%arg12 : memref<128x768xf32, #tpu.memory_space<vmem>>) offsets(%arg11 : memref<128xi32, #tpu.memory_space<vmem>>) semaphore(%arg14 : memref<!tpu.dma_semaphore, #tpu.memory_space<semaphore_mem>>)
    %dma_wait3A = arith.constant 0 : i32
    %dma_wait3A_38 = arith.constant 0 : i32
    %dma_wait3A_39 = tpu.memref_slice %arg2[%dma_wait3A, %dma_wait3A_38] : memref<2048x768xf32, #tpu.memory_space<hbm>> -> memref<2048x768xf32, #tpu.memory_space<hbm>>
    tpu.wait_indirect_dma semaphore(%arg14 : memref<!tpu.dma_semaphore, #tpu.memory_space<semaphore_mem>>) src(%dma_wait3A_39 : memref<2048x768xf32, #tpu.memory_space<hbm>>) dst(%arg12 : memref<128x768xf32, #tpu.memory_space<vmem>>)
    %mul3A_40 = arith.constant 512 : i32
    %mul3A_41 = arith.muli %add3A_33, %mul3A_40 : i32
    %mul3A_42 = arith.constant 128 : i32
    %mul3A_43 = arith.muli %select_n3A_31, %mul3A_42 : i32
    %add3A_44 = arith.addi %mul3A_41, %mul3A_43 : i32
    "tpu.region"() ({
      %run_scoped3A = tpu.sem_alloc : memref<!tpu.dma_semaphore, #tpu.memory_space<semaphore_mem>>
      %dma_start3A_45 = arith.constant 0 : i32
      %dma_start3A_46 = tpu.memref_slice %arg4[%add3A_44, %dma_start3A_45] : memref<4096x768xf32, #tpu.memory_space<hbm>> -> memref<128x768xf32, #tpu.memory_space<hbm>>
      %dma_start3A_47 = arith.constant 0 : i32
      %dma_start3A_48 = tpu.memref_slice %arg4[%add3A_44, %dma_start3A_47] : memref<4096x768xf32, #tpu.memory_space<hbm>> -> memref<128x768xf32, #tpu.memory_space<hbm>>
      tpu.enqueue_dma source(%arg12 : memref<128x768xf32, #tpu.memory_space<vmem>>) target(%dma_start3A_48 : memref<128x768xf32, #tpu.memory_space<hbm>>) target_semaphore(%run_scoped3A : memref<!tpu.dma_semaphore, #tpu.memory_space<semaphore_mem>>)
      %dma_wait3A_49 = arith.constant 0 : i32
      %dma_wait3A_50 = tpu.memref_slice %arg4[%add3A_44, %dma_wait3A_49] : memref<4096x768xf32, #tpu.memory_space<hbm>> -> memref<128x768xf32, #tpu.memory_space<hbm>>
      %dma_wait3A_51 = arith.constant 0 : i32
      %dma_wait3A_52 = tpu.memref_slice %arg4[%add3A_44, %dma_wait3A_51] : memref<4096x768xf32, #tpu.memory_space<hbm>> -> memref<128x768xf32, #tpu.memory_space<hbm>>
      tpu.wait_dma2 semaphore(%run_scoped3A : memref<!tpu.dma_semaphore, #tpu.memory_space<semaphore_mem>>) src(%arg12 : memref<128x768xf32, #tpu.memory_space<vmem>>) dst(%dma_wait3A_52 : memref<128x768xf32, #tpu.memory_space<hbm>>)
      tpu.yield
    }) : () -> ()
    return
  }
}

module attributes {stable_mosaic.version = 14 : i64} {
  func.func @_ovf_body(%arg0: i32, %arg1: memref<512x768xf32, #tpu.memory_space<vmem>>, %arg2: memref<768x1536xf32, #tpu.memory_space<vmem>>, %arg3: memref<1x1536xf32, #tpu.memory_space<vmem>>, %arg4: memref<1536x768xf32, #tpu.memory_space<vmem>>, %arg5: memref<1x768xf32, #tpu.memory_space<vmem>>, %arg6: memref<512x8xf32, #tpu.memory_space<vmem>>, %arg7: memref<512x768xf32, #tpu.memory_space<vmem>>) attributes {dimension_semantics = [#tpu.dimension_semantics<arbitrary>], iteration_bounds = array<i64: 4>, scalar_prefetch = 0 : i64, scratch_operands = 0 : i64, tpu.core_type = #tpu.core_type<tc>, window_params = [{transform_indices = @transform_0, window_bounds = array<i64: 512, 768>}, {pipeline_mode = #tpu.pipeline_mode<synchronous>, transform_indices = @transform_1, window_bounds = array<i64: 768, 1536>}, {pipeline_mode = #tpu.pipeline_mode<synchronous>, transform_indices = @transform_2, window_bounds = array<i64: 1, 1536>}, {pipeline_mode = #tpu.pipeline_mode<synchronous>, transform_indices = @transform_3, window_bounds = array<i64: 1536, 768>}, {pipeline_mode = #tpu.pipeline_mode<synchronous>, transform_indices = @transform_4, window_bounds = array<i64: 1, 768>}, {transform_indices = @transform_5, window_bounds = array<i64: 512, 8>}, {transform_indices = @transform_6, window_bounds = array<i64: 512, 768>}]} {
    %get3A = arith.constant 0 : index
    %get3A_0 = arith.constant 0 : index
    %get3A_1 = vector.load %arg1[%get3A, %get3A_0] : memref<512x768xf32, #tpu.memory_space<vmem>>, vector<512x768xf32>
    %convert_element_type3A = arith.truncf %get3A_1 : vector<512x768xf32> to vector<512x768xbf16>
    %get3A_2 = arith.constant 0 : index
    %get3A_3 = arith.constant 0 : index
    %get3A_4 = vector.load %arg2[%get3A_2, %get3A_3] : memref<768x1536xf32, #tpu.memory_space<vmem>>, vector<768x1536xf32>
    %convert_element_type3A_5 = arith.truncf %get3A_4 : vector<768x1536xf32> to vector<768x1536xbf16>
    %dot_general3A = arith.constant dense<0.000000e+00> : vector<512x1536xf32>
    %dot_general3A_6 = tpu.matmul %convert_element_type3A, %convert_element_type3A_5, %dot_general3A {dimension_numbers = #tpu.dot_dimension_numbers<[1], [0], [0], [1], [0, 0, 1, 1], [], []>, transpose_lhs_hint = false} : vector<512x768xbf16>, vector<768x1536xbf16>, vector<512x1536xf32> -> vector<512x1536xf32>
    %get3A_7 = arith.constant 0 : index
    %get3A_8 = arith.constant 0 : index
    %get3A_9 = vector.load %arg3[%get3A_7, %get3A_8] : memref<1x1536xf32, #tpu.memory_space<vmem>>, vector<1x1536xf32>
    %add3A = vector.broadcast %get3A_9 : vector<1x1536xf32> to vector<512x1536xf32>
    %add3A_10 = arith.addf %dot_general3A_6, %add3A : vector<512x1536xf32>
    %max3A = arith.constant 0.000000e+00 : f32
    %max3A_11 = vector.broadcast %max3A : f32 to vector<512x1536xf32>
    %max3A_12 = arith.maximumf %add3A_10, %max3A_11 : vector<512x1536xf32>
    %convert_element_type3A_13 = arith.truncf %max3A_12 : vector<512x1536xf32> to vector<512x1536xbf16>
    %get3A_14 = arith.constant 0 : index
    %get3A_15 = arith.constant 0 : index
    %get3A_16 = vector.load %arg4[%get3A_14, %get3A_15] : memref<1536x768xf32, #tpu.memory_space<vmem>>, vector<1536x768xf32>
    %convert_element_type3A_17 = arith.truncf %get3A_16 : vector<1536x768xf32> to vector<1536x768xbf16>
    %dot_general3A_18 = arith.constant dense<0.000000e+00> : vector<512x768xf32>
    %dot_general3A_19 = tpu.matmul %convert_element_type3A_13, %convert_element_type3A_17, %dot_general3A_18 {dimension_numbers = #tpu.dot_dimension_numbers<[1], [0], [0], [1], [0, 0, 1, 1], [], []>, transpose_lhs_hint = false} : vector<512x1536xbf16>, vector<1536x768xbf16>, vector<512x768xf32> -> vector<512x768xf32>
    %get3A_20 = arith.constant 0 : index
    %get3A_21 = arith.constant 0 : index
    %get3A_22 = vector.load %arg5[%get3A_20, %get3A_21] : memref<1x768xf32, #tpu.memory_space<vmem>>, vector<1x768xf32>
    %add3A_23 = vector.broadcast %get3A_22 : vector<1x768xf32> to vector<512x768xf32>
    %add3A_24 = arith.addf %dot_general3A_19, %add3A_23 : vector<512x768xf32>
    %get3A_25 = arith.constant 0 : index
    %get3A_26 = arith.constant 0 : index
    %get3A_27 = vector.load %arg6[%get3A_25, %get3A_26] : memref<512x8xf32, #tpu.memory_space<vmem>>, vector<512x8xf32>
    %reduce_sum3A = arith.constant dense<0.000000e+00> : vector<512xf32>
    %reduce_sum3A_28 = vector.multi_reduction <add>, %get3A_27, %reduce_sum3A [1] : vector<512x8xf32> to vector<512xf32>
    %broadcast_in_dim3A = vector.shape_cast %reduce_sum3A_28 : vector<512xf32> to vector<512x1xf32>
    %mul3A = vector.broadcast %broadcast_in_dim3A : vector<512x1xf32> to vector<512x768xf32>
    %mul3A_29 = arith.mulf %mul3A, %add3A_24 : vector<512x768xf32>
    %swap3A = arith.constant 0 : index
    %swap3A_30 = arith.constant 0 : index
    %swap3A_31 = vector.load %arg7[%swap3A, %swap3A_30] : memref<512x768xf32, #tpu.memory_space<vmem>>, vector<512x768xf32>
    tpu.vector_store %arg7[%swap3A, %swap3A_30], %mul3A_29 {strides = array<i32>} : memref<512x768xf32, #tpu.memory_space<vmem>>, vector<512x768xf32>,
    return
  }
  func.func @transform_0(%arg0: i32) -> (i32, i32) {
    %c0_i32 = arith.constant 0 : i32
    %c0_i32_0 = arith.constant 0 : i32
    return %arg0, %c0_i32 : i32, i32
  }
  func.func @transform_1(%arg0: i32) -> (i32, i32) {
    %c0_i32 = arith.constant 0 : i32
    %c0_i32_0 = arith.constant 0 : i32
    %c0_i32_1 = arith.constant 0 : i32
    return %c0_i32, %c0_i32_0 : i32, i32
  }
  func.func @transform_2(%arg0: i32) -> (i32, i32) {
    %c0_i32 = arith.constant 0 : i32
    %c0_i32_0 = arith.constant 0 : i32
    %c0_i32_1 = arith.constant 0 : i32
    return %c0_i32, %c0_i32_0 : i32, i32
  }
  func.func @transform_3(%arg0: i32) -> (i32, i32) {
    %c0_i32 = arith.constant 0 : i32
    %c0_i32_0 = arith.constant 0 : i32
    %c0_i32_1 = arith.constant 0 : i32
    return %c0_i32, %c0_i32_0 : i32, i32
  }
  func.func @transform_4(%arg0: i32) -> (i32, i32) {
    %c0_i32 = arith.constant 0 : i32
    %c0_i32_0 = arith.constant 0 : i32
    %c0_i32_1 = arith.constant 0 : i32
    return %c0_i32, %c0_i32_0 : i32, i32
  }
  func.func @transform_5(%arg0: i32) -> (i32, i32) {
    %c0_i32 = arith.constant 0 : i32
    %c0_i32_0 = arith.constant 0 : i32
    return %arg0, %c0_i32 : i32, i32
  }
  func.func @transform_6(%arg0: i32) -> (i32, i32) {
    %c0_i32 = arith.constant 0 : i32
    %c0_i32_0 = arith.constant 0 : i32
    return %arg0, %c0_i32 : i32, i32
  }
}

module attributes {stable_mosaic.version = 14 : i64} {
  func.func @_router_body(%arg0: memref<2048x768xf32, #tpu.memory_space<vmem>>, %arg1: memref<768x8xf32, #tpu.memory_space<vmem>>, %arg2: memref<1x8xf32, #tpu.memory_space<vmem>>, %arg3: memref<16x2048xf32, #tpu.memory_space<vmem>>, %arg4: memref<2048x8xf32, #tpu.memory_space<vmem>>, %arg5: memref<1x1xf32, #tpu.memory_space<vmem>>) attributes {dimension_semantics = [], scalar_prefetch = 0 : i64, scratch_operands = 0 : i64, tpu.core_type = #tpu.core_type<tc>} {
    %get3A = arith.constant 0 : index
    %get3A_0 = arith.constant 0 : index
    %get3A_1 = vector.load %arg0[%get3A, %get3A_0] : memref<2048x768xf32, #tpu.memory_space<vmem>>, vector<2048x768xf32>
    %get3A_2 = arith.constant 0 : index
    %get3A_3 = arith.constant 0 : index
    %get3A_4 = vector.load %arg1[%get3A_2, %get3A_3] : memref<768x8xf32, #tpu.memory_space<vmem>>, vector<768x8xf32>
    %dot_general3A = arith.constant dense<0.000000e+00> : vector<2048x8xf32>
    %dot_general3A_5 = tpu.matmul %get3A_1, %get3A_4, %dot_general3A {dimension_numbers = #tpu.dot_dimension_numbers<[1], [0], [0], [1], [0, 0, 1, 1], [], []>, transpose_lhs_hint = false} : vector<2048x768xf32>, vector<768x8xf32>, vector<2048x8xf32> -> vector<2048x8xf32>
    %get3A_6 = arith.constant 0 : index
    %get3A_7 = arith.constant 0 : index
    %get3A_8 = vector.load %arg2[%get3A_6, %get3A_7] : memref<1x8xf32, #tpu.memory_space<vmem>>, vector<1x8xf32>
    %add3A = vector.broadcast %get3A_8 : vector<1x8xf32> to vector<2048x8xf32>
    %add3A_9 = arith.addf %dot_general3A_5, %add3A : vector<2048x8xf32>
    %iota3A = tpu.iota {dimensions = array<i32: 1>} : vector<2048x8xi32>
    %reduce_max3A = arith.constant dense<0xFF800000> : vector<2048xf32>
    %reduce_max3A_10 = vector.multi_reduction <maximumf>, %add3A_9, %reduce_max3A [1] : vector<2048x8xf32> to vector<2048xf32>
    %broadcast_in_dim3A = vector.shape_cast %reduce_max3A_10 : vector<2048xf32> to vector<2048x1xf32>
    %sub3A = vector.broadcast %broadcast_in_dim3A : vector<2048x1xf32> to vector<2048x8xf32>
    %sub3A_11 = arith.subf %add3A_9, %sub3A : vector<2048x8xf32>
    %exp3A = math.exp %sub3A_11 : vector<2048x8xf32>
    %reduce_sum3A = arith.constant dense<0.000000e+00> : vector<2048xf32>
    %reduce_sum3A_12 = vector.multi_reduction <add>, %exp3A, %reduce_sum3A [1] : vector<2048x8xf32> to vector<2048xf32>
    %broadcast_in_dim3A_13 = vector.shape_cast %reduce_sum3A_12 : vector<2048xf32> to vector<2048x1xf32>
    %div3A = vector.broadcast %broadcast_in_dim3A_13 : vector<2048x1xf32> to vector<2048x8xf32>
    %div3A_14 = arith.divf %exp3A, %div3A : vector<2048x8xf32>
    %reduce_max3A_15 = arith.constant dense<0xFF800000> : vector<2048xf32>
    %reduce_max3A_16 = vector.multi_reduction <maximumf>, %div3A_14, %reduce_max3A_15 [1] : vector<2048x8xf32> to vector<2048xf32>
    %broadcast_in_dim3A_17 = vector.shape_cast %reduce_max3A_16 : vector<2048xf32> to vector<2048x1xf32>
    %eq3A = vector.broadcast %broadcast_in_dim3A_17 : vector<2048x1xf32> to vector<2048x8xf32>
    %eq3A_18 = arith.cmpf oeq, %div3A_14, %eq3A : vector<2048x8xf32>
    %jit3A = arith.constant 128 : i32
    %broadcast_in_dim3A_19 = vector.broadcast %jit3A : i32 to vector<2048x8xi32>
    %select_n3A = arith.select %eq3A_18, %iota3A, %broadcast_in_dim3A_19 : vector<2048x8xi1>, vector<2048x8xi32>
    %reduce_min3A = arith.constant dense<2147483647> : vector<2048xi32>
    %reduce_min3A_20 = vector.multi_reduction <minsi>, %select_n3A, %reduce_min3A [1] : vector<2048x8xi32> to vector<2048xi32>
    %broadcast_in_dim3A_21 = vector.shape_cast %reduce_min3A_20 : vector<2048xi32> to vector<2048x1xi32>
    %eq3A_22 = vector.broadcast %broadcast_in_dim3A_21 : vector<2048x1xi32> to vector<2048x8xi32>
    %eq3A_23 = arith.cmpi eq, %iota3A, %eq3A_22 : vector<2048x8xi32>
    %jit3A_24 = arith.constant -2.000000e+00 : f32
    %broadcast_in_dim3A_25 = vector.broadcast %jit3A_24 : f32 to vector<2048x8xf32>
    %select_n3A_26 = arith.select %eq3A_23, %broadcast_in_dim3A_25, %div3A_14 : vector<2048x8xi1>, vector<2048x8xf32>
    %reduce_max3A_27 = arith.constant dense<0xFF800000> : vector<2048xf32>
    %reduce_max3A_28 = vector.multi_reduction <maximumf>, %select_n3A_26, %reduce_max3A_27 [1] : vector<2048x8xf32> to vector<2048xf32>
    %broadcast_in_dim3A_29 = vector.shape_cast %reduce_max3A_28 : vector<2048xf32> to vector<2048x1xf32>
    %eq3A_30 = vector.broadcast %broadcast_in_dim3A_29 : vector<2048x1xf32> to vector<2048x8xf32>
    %eq3A_31 = arith.cmpf oeq, %select_n3A_26, %eq3A_30 : vector<2048x8xf32>
    %jit3A_32 = arith.constant 128 : i32
    %broadcast_in_dim3A_33 = vector.broadcast %jit3A_32 : i32 to vector<2048x8xi32>
    %select_n3A_34 = arith.select %eq3A_31, %iota3A, %broadcast_in_dim3A_33 : vector<2048x8xi1>, vector<2048x8xi32>
    %reduce_min3A_35 = arith.constant dense<2147483647> : vector<2048xi32>
    %reduce_min3A_36 = vector.multi_reduction <minsi>, %select_n3A_34, %reduce_min3A_35 [1] : vector<2048x8xi32> to vector<2048xi32>
    %broadcast_in_dim3A_37 = vector.shape_cast %reduce_min3A_36 : vector<2048xi32> to vector<2048x1xi32>
    %add3A_38 = arith.addf %broadcast_in_dim3A_17, %broadcast_in_dim3A_29 : vector<2048x1xf32>
    %eq3A_39 = vector.broadcast %broadcast_in_dim3A_21 : vector<2048x1xi32> to vector<2048x8xi32>
    %eq3A_40 = arith.cmpi eq, %iota3A, %eq3A_39 : vector<2048x8xi32>
    %div3A_41 = arith.divf %broadcast_in_dim3A_17, %add3A_38 : vector<2048x1xf32>
    %jit3A_42 = arith.constant 0.000000e+00 : f32
    %broadcast_in_dim3A_43 = vector.shape_cast %div3A_41 : vector<2048x1xf32> to vector<2048x1xf32>
    %broadcast_in_dim3A_44 = vector.broadcast %broadcast_in_dim3A_43 : vector<2048x1xf32> to vector<2048x8xf32>
    %broadcast_in_dim3A_45 = vector.broadcast %jit3A_42 : f32 to vector<2048x8xf32>
    %select_n3A_46 = arith.select %eq3A_40, %broadcast_in_dim3A_44, %broadcast_in_dim3A_45 : vector<2048x8xi1>, vector<2048x8xf32>
    %eq3A_47 = vector.broadcast %broadcast_in_dim3A_37 : vector<2048x1xi32> to vector<2048x8xi32>
    %eq3A_48 = arith.cmpi eq, %iota3A, %eq3A_47 : vector<2048x8xi32>
    %div3A_49 = arith.divf %broadcast_in_dim3A_29, %add3A_38 : vector<2048x1xf32>
    %jit3A_50 = arith.constant 0.000000e+00 : f32
    %broadcast_in_dim3A_51 = vector.shape_cast %div3A_49 : vector<2048x1xf32> to vector<2048x1xf32>
    %broadcast_in_dim3A_52 = vector.broadcast %broadcast_in_dim3A_51 : vector<2048x1xf32> to vector<2048x8xf32>
    %broadcast_in_dim3A_53 = vector.broadcast %jit3A_50 : f32 to vector<2048x8xf32>
    %select_n3A_54 = arith.select %eq3A_48, %broadcast_in_dim3A_52, %broadcast_in_dim3A_53 : vector<2048x8xi1>, vector<2048x8xf32>
    %add3A_55 = arith.addf %select_n3A_46, %select_n3A_54 : vector<2048x8xf32>
    %eq3A_56 = vector.broadcast %broadcast_in_dim3A_21 : vector<2048x1xi32> to vector<2048x8xi32>
    %eq3A_57 = arith.cmpi eq, %iota3A, %eq3A_56 : vector<2048x8xi32>
    %eq3A_58 = vector.broadcast %broadcast_in_dim3A_37 : vector<2048x1xi32> to vector<2048x8xi32>
    %eq3A_59 = arith.cmpi eq, %iota3A, %eq3A_58 : vector<2048x8xi32>
    %or3A = arith.ori %eq3A_57, %eq3A_59 : vector<2048x8xi1>
    %jit3A_60 = arith.constant 1.000000e+00 : f32
    %jit3A_61 = arith.constant 0.000000e+00 : f32
    %broadcast_in_dim3A_62 = vector.broadcast %jit3A_60 : f32 to vector<2048x8xf32>
    %broadcast_in_dim3A_63 = vector.broadcast %jit3A_61 : f32 to vector<2048x8xf32>
    %select_n3A_64 = arith.select %or3A, %broadcast_in_dim3A_62, %broadcast_in_dim3A_63 : vector<2048x8xi1>, vector<2048x8xf32>
    %broadcast_in_dim3A_65 = arith.constant 0.000000e+00 : f32
    %broadcast_in_dim3A_66 = vector.broadcast %broadcast_in_dim3A_65 : f32 to vector<1x8xf32>
    %slice3A = vector.extract_strided_slice %select_n3A_64 {offsets = [0, 0], sizes = [2047, 8], strides = [1, 1]} : vector<2048x8xf32> to vector<2047x8xf32>
    %concatenate3A = tpu.concatenate %broadcast_in_dim3A_66, %slice3A in 0 : vector<1x8xf32>, vector<2047x8xf32> -> vector<2048x8xf32>
    %add3A_67 = arith.addf %select_n3A_64, %concatenate3A : vector<2048x8xf32>
    %broadcast_in_dim3A_68 = arith.constant 0.000000e+00 : f32
    %broadcast_in_dim3A_69 = vector.broadcast %broadcast_in_dim3A_68 : f32 to vector<2x8xf32>
    %slice3A_70 = vector.extract_strided_slice %add3A_67 {offsets = [0, 0], sizes = [2046, 8], strides = [1, 1]} : vector<2048x8xf32> to vector<2046x8xf32>
    %concatenate3A_71 = tpu.concatenate %broadcast_in_dim3A_69, %slice3A_70 in 0 : vector<2x8xf32>, vector<2046x8xf32> -> vector<2048x8xf32>
    %add3A_72 = arith.addf %add3A_67, %concatenate3A_71 : vector<2048x8xf32>
    %broadcast_in_dim3A_73 = arith.constant 0.000000e+00 : f32
    %broadcast_in_dim3A_74 = vector.broadcast %broadcast_in_dim3A_73 : f32 to vector<4x8xf32>
    %slice3A_75 = vector.extract_strided_slice %add3A_72 {offsets = [0, 0], sizes = [2044, 8], strides = [1, 1]} : vector<2048x8xf32> to vector<2044x8xf32>
    %concatenate3A_76 = tpu.concatenate %broadcast_in_dim3A_74, %slice3A_75 in 0 : vector<4x8xf32>, vector<2044x8xf32> -> vector<2048x8xf32>
    %add3A_77 = arith.addf %add3A_72, %concatenate3A_76 : vector<2048x8xf32>
    %broadcast_in_dim3A_78 = arith.constant 0.000000e+00 : f32
    %broadcast_in_dim3A_79 = vector.broadcast %broadcast_in_dim3A_78 : f32 to vector<8x8xf32>
    %slice3A_80 = vector.extract_strided_slice %add3A_77 {offsets = [0, 0], sizes = [2040, 8], strides = [1, 1]} : vector<2048x8xf32> to vector<2040x8xf32>
    %concatenate3A_81 = tpu.concatenate %broadcast_in_dim3A_79, %slice3A_80 in 0 : vector<8x8xf32>, vector<2040x8xf32> -> vector<2048x8xf32>
    %add3A_82 = arith.addf %add3A_77, %concatenate3A_81 : vector<2048x8xf32>
    %broadcast_in_dim3A_83 = arith.constant 0.000000e+00 : f32
    %broadcast_in_dim3A_84 = vector.broadcast %broadcast_in_dim3A_83 : f32 to vector<16x8xf32>
    %slice3A_85 = vector.extract_strided_slice %add3A_82 {offsets = [0, 0], sizes = [2032, 8], strides = [1, 1]} : vector<2048x8xf32> to vector<2032x8xf32>
    %concatenate3A_86 = tpu.concatenate %broadcast_in_dim3A_84, %slice3A_85 in 0 : vector<16x8xf32>, vector<2032x8xf32> -> vector<2048x8xf32>
    %add3A_87 = arith.addf %add3A_82, %concatenate3A_86 : vector<2048x8xf32>
    %broadcast_in_dim3A_88 = arith.constant 0.000000e+00 : f32
    %broadcast_in_dim3A_89 = vector.broadcast %broadcast_in_dim3A_88 : f32 to vector<32x8xf32>
    %slice3A_90 = vector.extract_strided_slice %add3A_87 {offsets = [0, 0], sizes = [2016, 8], strides = [1, 1]} : vector<2048x8xf32> to vector<2016x8xf32>
    %concatenate3A_91 = tpu.concatenate %broadcast_in_dim3A_89, %slice3A_90 in 0 : vector<32x8xf32>, vector<2016x8xf32> -> vector<2048x8xf32>
    %add3A_92 = arith.addf %add3A_87, %concatenate3A_91 : vector<2048x8xf32>
    %broadcast_in_dim3A_93 = arith.constant 0.000000e+00 : f32
    %broadcast_in_dim3A_94 = vector.broadcast %broadcast_in_dim3A_93 : f32 to vector<64x8xf32>
    %slice3A_95 = vector.extract_strided_slice %add3A_92 {offsets = [0, 0], sizes = [1984, 8], strides = [1, 1]} : vector<2048x8xf32> to vector<1984x8xf32>
    %concatenate3A_96 = tpu.concatenate %broadcast_in_dim3A_94, %slice3A_95 in 0 : vector<64x8xf32>, vector<1984x8xf32> -> vector<2048x8xf32>
    %add3A_97 = arith.addf %add3A_92, %concatenate3A_96 : vector<2048x8xf32>
    %broadcast_in_dim3A_98 = arith.constant 0.000000e+00 : f32
    %broadcast_in_dim3A_99 = vector.broadcast %broadcast_in_dim3A_98 : f32 to vector<128x8xf32>
    %slice3A_100 = vector.extract_strided_slice %add3A_97 {offsets = [0, 0], sizes = [1920, 8], strides = [1, 1]} : vector<2048x8xf32> to vector<1920x8xf32>
    %concatenate3A_101 = tpu.concatenate %broadcast_in_dim3A_99, %slice3A_100 in 0 : vector<128x8xf32>, vector<1920x8xf32> -> vector<2048x8xf32>
    %add3A_102 = arith.addf %add3A_97, %concatenate3A_101 : vector<2048x8xf32>
    %broadcast_in_dim3A_103 = arith.constant 0.000000e+00 : f32
    %broadcast_in_dim3A_104 = vector.broadcast %broadcast_in_dim3A_103 : f32 to vector<256x8xf32>
    %slice3A_105 = vector.extract_strided_slice %add3A_102 {offsets = [0, 0], sizes = [1792, 8], strides = [1, 1]} : vector<2048x8xf32> to vector<1792x8xf32>
    %concatenate3A_106 = tpu.concatenate %broadcast_in_dim3A_104, %slice3A_105 in 0 : vector<256x8xf32>, vector<1792x8xf32> -> vector<2048x8xf32>
    %add3A_107 = arith.addf %add3A_102, %concatenate3A_106 : vector<2048x8xf32>
    %broadcast_in_dim3A_108 = arith.constant 0.000000e+00 : f32
    %broadcast_in_dim3A_109 = vector.broadcast %broadcast_in_dim3A_108 : f32 to vector<512x8xf32>
    %slice3A_110 = vector.extract_strided_slice %add3A_107 {offsets = [0, 0], sizes = [1536, 8], strides = [1, 1]} : vector<2048x8xf32> to vector<1536x8xf32>
    %concatenate3A_111 = tpu.concatenate %broadcast_in_dim3A_109, %slice3A_110 in 0 : vector<512x8xf32>, vector<1536x8xf32> -> vector<2048x8xf32>
    %add3A_112 = arith.addf %add3A_107, %concatenate3A_111 : vector<2048x8xf32>
    %broadcast_in_dim3A_113 = arith.constant 0.000000e+00 : f32
    %broadcast_in_dim3A_114 = vector.broadcast %broadcast_in_dim3A_113 : f32 to vector<1024x8xf32>
    %slice3A_115 = vector.extract_strided_slice %add3A_112 {offsets = [0, 0], sizes = [1024, 8], strides = [1, 1]} : vector<2048x8xf32> to vector<1024x8xf32>
    %concatenate3A_116 = tpu.concatenate %broadcast_in_dim3A_114, %slice3A_115 in 0 : vector<1024x8xf32>, vector<1024x8xf32> -> vector<2048x8xf32>
    %add3A_117 = arith.addf %add3A_112, %concatenate3A_116 : vector<2048x8xf32>
    %gt3A = arith.constant 0.000000e+00 : f32
    %gt3A_118 = vector.broadcast %gt3A : f32 to vector<2048x8xf32>
    %gt3A_119 = arith.cmpf ogt, %select_n3A_64, %gt3A_118 : vector<2048x8xf32>
    %le3A = arith.constant 5.120000e+02 : f32
    %le3A_120 = vector.broadcast %le3A : f32 to vector<2048x8xf32>
    %le3A_121 = arith.cmpf ole, %add3A_117, %le3A_120 : vector<2048x8xf32>
    %and3A = arith.andi %gt3A_119, %le3A_121 : vector<2048x8xi1>
    %gt3A_122 = arith.constant 0.000000e+00 : f32
    %gt3A_123 = vector.broadcast %gt3A_122 : f32 to vector<2048x8xf32>
    %gt3A_124 = arith.cmpf ogt, %select_n3A_64, %gt3A_123 : vector<2048x8xf32>
    %not3A = arith.constant dense<true> : vector<2048x8xi1>
    %not3A_125 = arith.xori %and3A, %not3A : vector<2048x8xi1>
    %and3A_126 = arith.andi %gt3A_124, %not3A_125 : vector<2048x8xi1>
    %jit3A_127 = arith.constant 0.000000e+00 : f32
    %broadcast_in_dim3A_128 = vector.broadcast %jit3A_127 : f32 to vector<2048x8xf32>
    %select_n3A_129 = arith.select %and3A, %add3A_55, %broadcast_in_dim3A_128 : vector<2048x8xi1>, vector<2048x8xf32>
    %jit3A_130 = arith.constant 0.000000e+00 : f32
    %broadcast_in_dim3A_131 = vector.broadcast %jit3A_130 : f32 to vector<2048x8xf32>
    %select_n3A_132 = arith.select %and3A_126, %add3A_55, %broadcast_in_dim3A_131 : vector<2048x8xi1>, vector<2048x8xf32>
    %reduce_sum3A_133 = arith.constant dense<0.000000e+00> : vector<2048xf32>
    %reduce_sum3A_134 = vector.multi_reduction <add>, %select_n3A_132, %reduce_sum3A_133 [1] : vector<2048x8xf32> to vector<2048xf32>
    %broadcast_in_dim3A_135 = vector.shape_cast %reduce_sum3A_134 : vector<2048xf32> to vector<2048x1xf32>
    %convert_element_type3A = arith.extui %and3A : vector<2048x8xi1> to vector<2048x8xi32>
    %convert_element_type3A_136 = arith.sitofp %convert_element_type3A : vector<2048x8xi32> to vector<2048x8xf32>
    %reduce_sum3A_137 = arith.constant dense<0.000000e+00> : vector<8xf32>
    %reduce_sum3A_138 = vector.multi_reduction <add>, %convert_element_type3A_136, %reduce_sum3A_137 [0] : vector<2048x8xf32> to vector<8xf32>
    %broadcast_in_dim3A_139 = vector.shape_cast %reduce_sum3A_138 : vector<8xf32> to vector<1x8xf32>
    %reduce_sum3A_140 = arith.constant dense<0.000000e+00> : vector<8xf32>
    %reduce_sum3A_141 = vector.multi_reduction <add>, %select_n3A_129, %reduce_sum3A_140 [0] : vector<2048x8xf32> to vector<8xf32>
    %broadcast_in_dim3A_142 = vector.shape_cast %reduce_sum3A_141 : vector<8xf32> to vector<1x8xf32>
    %max3A = arith.constant 1.000000e+00 : f32
    %max3A_143 = vector.broadcast %max3A : f32 to vector<1x8xf32>
    %max3A_144 = arith.maximumf %broadcast_in_dim3A_139, %max3A_143 : vector<1x8xf32>
    %div3A_145 = arith.divf %broadcast_in_dim3A_142, %max3A_144 : vector<1x8xf32>
    %div3A_146 = arith.constant 2.048000e+03 : f32
    %div3A_147 = vector.broadcast %div3A_146 : f32 to vector<1x8xf32>
    %div3A_148 = arith.divf %broadcast_in_dim3A_139, %div3A_147 : vector<1x8xf32>
    %mul3A = arith.mulf %div3A_148, %div3A_145 : vector<1x8xf32>
    %reduce_sum3A_149 = vector.shape_cast %mul3A : vector<1x8xf32> to vector<1x1x8xf32>
    %reduce_sum3A_150 = arith.constant dense<0.000000e+00> : vector<1xf32>
    %reduce_sum3A_151 = vector.multi_reduction <add>, %reduce_sum3A_149, %reduce_sum3A_150 [1, 2] : vector<1x1x8xf32> to vector<1xf32>
    %reduce_sum3A_152 = vector.shape_cast %reduce_sum3A_151 : vector<1xf32> to vector<1x1x1xf32>
    %reduce_sum3A_153 = vector.extract %reduce_sum3A_152[0, 0, 0] : f32 from vector<1x1x1xf32>
    %broadcast_in_dim3A_154 = vector.broadcast %reduce_sum3A_153 : f32 to vector<1x1xf32>
    %mul3A_155 = arith.constant 8.000000e-02 : f32
    %mul3A_156 = vector.broadcast %mul3A_155 : f32 to vector<1x1xf32>
    %mul3A_157 = arith.mulf %mul3A_156, %broadcast_in_dim3A_154 : vector<1x1xf32>
    %swap3A = arith.constant 0 : index
    %swap3A_158 = arith.constant 0 : index
    %swap3A_159 = vector.load %arg5[%swap3A, %swap3A_158] : memref<1x1xf32, #tpu.memory_space<vmem>>, vector<1x1xf32>
    tpu.vector_store %arg5[%swap3A, %swap3A_158], %mul3A_157 {strides = array<i32>} : memref<1x1xf32, #tpu.memory_space<vmem>>, vector<1x1xf32>,
    %sub3A_160 = arith.constant 1.000000e+00 : f32
    %sub3A_161 = vector.broadcast %sub3A_160 : f32 to vector<2048x8xf32>
    %sub3A_162 = arith.subf %add3A_117, %sub3A_161 : vector<2048x8xf32>
    %jit3A_163 = arith.constant -1.000000e+00 : f32
    %broadcast_in_dim3A_164 = vector.broadcast %jit3A_163 : f32 to vector<2048x8xf32>
    %select_n3A_165 = arith.select %and3A, %sub3A_162, %broadcast_in_dim3A_164 : vector<2048x8xi1>, vector<2048x8xf32>
    %concatenate3A_166 = tpu.concatenate %select_n3A_129, %select_n3A_165 in 1 : vector<2048x8xf32>, vector<2048x8xf32> -> vector<2048x16xf32>
    %transpose3A = tpu.transpose %concatenate3A_166, [1, 0] : vector<2048x16xf32> -> vector<16x2048xf32>
    %swap3A_167 = arith.constant 0 : index
    %swap3A_168 = arith.constant 0 : index
    %swap3A_169 = vector.load %arg3[%swap3A_167, %swap3A_168] : memref<16x2048xf32, #tpu.memory_space<vmem>>, vector<16x2048xf32>
    tpu.vector_store %arg3[%swap3A_167, %swap3A_168], %transpose3A {strides = array<i32>} : memref<16x2048xf32, #tpu.memory_space<vmem>>, vector<16x2048xf32>,
    %eq3A_170 = arith.constant 0 : i32
    %eq3A_171 = vector.broadcast %eq3A_170 : i32 to vector<2048x8xi32>
    %eq3A_172 = arith.cmpi eq, %iota3A, %eq3A_171 : vector<2048x8xi32>
    %jit3A_173 = arith.constant 0.000000e+00 : f32
    %broadcast_in_dim3A_174 = vector.shape_cast %broadcast_in_dim3A_135 : vector<2048x1xf32> to vector<2048x1xf32>
    %broadcast_in_dim3A_175 = vector.broadcast %broadcast_in_dim3A_174 : vector<2048x1xf32> to vector<2048x8xf32>
    %broadcast_in_dim3A_176 = vector.broadcast %jit3A_173 : f32 to vector<2048x8xf32>
    %select_n3A_177 = arith.select %eq3A_172, %broadcast_in_dim3A_175, %broadcast_in_dim3A_176 : vector<2048x8xi1>, vector<2048x8xf32>
    %swap3A_178 = arith.constant 0 : index
    %swap3A_179 = arith.constant 0 : index
    %swap3A_180 = vector.load %arg4[%swap3A_178, %swap3A_179] : memref<2048x8xf32, #tpu.memory_space<vmem>>, vector<2048x8xf32>
    tpu.vector_store %arg4[%swap3A_178, %swap3A_179], %select_n3A_177 {strides = array<i32>} : memref<2048x8xf32, #tpu.memory_space<vmem>>, vector<2048x8xf32>,
    return
  }
}

module attributes {stable_mosaic.version = 14 : i64} {
  func.func @_exp_body(%arg0: i32, %arg1: memref<512x768xf32, #tpu.memory_space<vmem>>, %arg2: memref<1x768x1536xf32, #tpu.memory_space<vmem>>, %arg3: memref<1x1x1536xf32, #tpu.memory_space<vmem>>, %arg4: memref<1x1536x768xf32, #tpu.memory_space<vmem>>, %arg5: memref<1x1x768xf32, #tpu.memory_space<vmem>>, %arg6: memref<1x1x512xi32, #tpu.memory_space<vmem>>, %arg7: memref<512x8xf32, #tpu.memory_space<vmem>>, %arg8: memref<2048x768xf32, #tpu.memory_space<vmem>>, %arg9: memref<2048x768xf32, #tpu.memory_space<vmem>>) attributes {dimension_semantics = [#tpu.dimension_semantics<arbitrary>], iteration_bounds = array<i64: 8>, scalar_prefetch = 0 : i64, scratch_operands = 0 : i64, tpu.core_type = #tpu.core_type<tc>, window_params = [{transform_indices = @transform_0, window_bounds = array<i64: 512, 768>}, {transform_indices = @transform_1, window_bounds = array<i64: 1, 768, 1536>}, {transform_indices = @transform_2, window_bounds = array<i64: 1, 1, 1536>}, {transform_indices = @transform_3, window_bounds = array<i64: 1, 1536, 768>}, {transform_indices = @transform_4, window_bounds = array<i64: 1, 1, 768>}, {transform_indices = @transform_5, window_bounds = array<i64: 1, 1, 512>}, {pipeline_mode = #tpu.pipeline_mode<synchronous>, transform_indices = @transform_6, window_bounds = array<i64: 512, 8>}, {pipeline_mode = #tpu.pipeline_mode<synchronous>, transform_indices = @transform_7, window_bounds = array<i64: 2048, 768>}, {pipeline_mode = #tpu.pipeline_mode<synchronous>, transform_indices = @transform_8, window_bounds = array<i64: 2048, 768>}]} {
    %eq3A = arith.constant 0 : i32
    %eq3A_0 = arith.cmpi eq, %arg0, %eq3A : i32
    %convert_element_type3A = arith.extui %eq3A_0 : i1 to i32
    %cond3A = arith.constant 0 : i32
    %cond3A_1 = arith.cmpi ne, %convert_element_type3A, %cond3A : i32
    scf.if %cond3A_1 {
      %get3A_64 = arith.constant 0 : index
      %get3A_65 = arith.constant 0 : index
      %get3A_66 = vector.load %arg8[%get3A_64, %get3A_65] : memref<2048x768xf32, #tpu.memory_space<vmem>>, vector<2048x768xf32>
      %swap3A_67 = arith.constant 0 : index
      %swap3A_68 = arith.constant 0 : index
      %swap3A_69 = vector.load %arg9[%swap3A_67, %swap3A_68] : memref<2048x768xf32, #tpu.memory_space<vmem>>, vector<2048x768xf32>
      tpu.vector_store %arg9[%swap3A_67, %swap3A_68], %get3A_66 {strides = array<i32>} : memref<2048x768xf32, #tpu.memory_space<vmem>>, vector<2048x768xf32>,
    } else {
    }
    %get3A = arith.constant 0 : index
    %get3A_2 = arith.constant 0 : index
    %get3A_3 = vector.load %arg1[%get3A, %get3A_2] : memref<512x768xf32, #tpu.memory_space<vmem>>, vector<512x768xf32>
    %convert_element_type3A_4 = arith.truncf %get3A_3 : vector<512x768xf32> to vector<512x768xbf16>
    %get3A_5 = arith.constant 0 : index
    %get3A_6 = arith.constant 0 : index
    %get3A_7 = arith.constant 0 : index
    %get3A_8 = vector.load %arg2[%get3A_5, %get3A_6, %get3A_7] : memref<1x768x1536xf32, #tpu.memory_space<vmem>>, vector<1x768x1536xf32>
    %get3A_9 = vector.shape_cast %get3A_8 : vector<1x768x1536xf32> to vector<768x1536xf32>
    %convert_element_type3A_10 = arith.truncf %get3A_9 : vector<768x1536xf32> to vector<768x1536xbf16>
    %dot_general3A = arith.constant dense<0.000000e+00> : vector<512x1536xf32>
    %dot_general3A_11 = tpu.matmul %convert_element_type3A_4, %convert_element_type3A_10, %dot_general3A {dimension_numbers = #tpu.dot_dimension_numbers<[1], [0], [0], [1], [0, 0, 1, 1], [], []>, transpose_lhs_hint = false} : vector<512x768xbf16>, vector<768x1536xbf16>, vector<512x1536xf32> -> vector<512x1536xf32>
    %get3A_12 = arith.constant 0 : index
    %get3A_13 = arith.constant 0 : index
    %get3A_14 = arith.constant 0 : index
    %get3A_15 = vector.load %arg3[%get3A_12, %get3A_13, %get3A_14] : memref<1x1x1536xf32, #tpu.memory_space<vmem>>, vector<1x1x1536xf32>
    %get3A_16 = vector.shape_cast %get3A_15 : vector<1x1x1536xf32> to vector<1x1536xf32>
    %add3A = vector.broadcast %get3A_16 : vector<1x1536xf32> to vector<512x1536xf32>
    %add3A_17 = arith.addf %dot_general3A_11, %add3A : vector<512x1536xf32>
    %max3A = arith.constant 0.000000e+00 : f32
    %max3A_18 = vector.broadcast %max3A : f32 to vector<512x1536xf32>
    %max3A_19 = arith.maximumf %add3A_17, %max3A_18 : vector<512x1536xf32>
    %convert_element_type3A_20 = arith.truncf %max3A_19 : vector<512x1536xf32> to vector<512x1536xbf16>
    %get3A_21 = arith.constant 0 : index
    %get3A_22 = arith.constant 0 : index
    %get3A_23 = arith.constant 0 : index
    %get3A_24 = vector.load %arg4[%get3A_21, %get3A_22, %get3A_23] : memref<1x1536x768xf32, #tpu.memory_space<vmem>>, vector<1x1536x768xf32>
    %get3A_25 = vector.shape_cast %get3A_24 : vector<1x1536x768xf32> to vector<1536x768xf32>
    %convert_element_type3A_26 = arith.truncf %get3A_25 : vector<1536x768xf32> to vector<1536x768xbf16>
    %dot_general3A_27 = arith.constant dense<0.000000e+00> : vector<512x768xf32>
    %dot_general3A_28 = tpu.matmul %convert_element_type3A_20, %convert_element_type3A_26, %dot_general3A_27 {dimension_numbers = #tpu.dot_dimension_numbers<[1], [0], [0], [1], [0, 0, 1, 1], [], []>, transpose_lhs_hint = false} : vector<512x1536xbf16>, vector<1536x768xbf16>, vector<512x768xf32> -> vector<512x768xf32>
    %get3A_29 = arith.constant 0 : index
    %get3A_30 = arith.constant 0 : index
    %get3A_31 = arith.constant 0 : index
    %get3A_32 = vector.load %arg5[%get3A_29, %get3A_30, %get3A_31] : memref<1x1x768xf32, #tpu.memory_space<vmem>>, vector<1x1x768xf32>
    %get3A_33 = vector.shape_cast %get3A_32 : vector<1x1x768xf32> to vector<1x768xf32>
    %add3A_34 = vector.broadcast %get3A_33 : vector<1x768xf32> to vector<512x768xf32>
    %add3A_35 = arith.addf %dot_general3A_28, %add3A_34 : vector<512x768xf32>
    %iota3A = tpu.iota {dimensions = array<i32: 1>} : vector<512x8xi32>
    %eq3A_36 = vector.broadcast %arg0 : i32 to vector<512x8xi32>
    %eq3A_37 = arith.cmpi eq, %iota3A, %eq3A_36 : vector<512x8xi32>
    %get3A_38 = arith.constant 0 : index
    %get3A_39 = arith.constant 0 : index
    %get3A_40 = vector.load %arg7[%get3A_38, %get3A_39] : memref<512x8xf32, #tpu.memory_space<vmem>>, vector<512x8xf32>
    %jit3A = arith.constant 0.000000e+00 : f32
    %broadcast_in_dim3A = vector.broadcast %jit3A : f32 to vector<512x8xf32>
    %select_n3A = arith.select %eq3A_37, %get3A_40, %broadcast_in_dim3A : vector<512x8xi1>, vector<512x8xf32>
    %reduce_sum3A = arith.constant dense<0.000000e+00> : vector<512xf32>
    %reduce_sum3A_41 = vector.multi_reduction <add>, %select_n3A, %reduce_sum3A [1] : vector<512x8xf32> to vector<512xf32>
    %broadcast_in_dim3A_42 = vector.shape_cast %reduce_sum3A_41 : vector<512xf32> to vector<512x1xf32>
    %mul3A = vector.broadcast %broadcast_in_dim3A_42 : vector<512x1xf32> to vector<512x768xf32>
    %mul3A_43 = arith.mulf %mul3A, %add3A_35 : vector<512x768xf32>
    %convert_element_type3A_44 = arith.truncf %mul3A_43 : vector<512x768xf32> to vector<512x768xbf16>
    %iota3A_45 = tpu.iota {dimensions = array<i32: 0>} : vector<2048x512xi32>
    %get3A_46 = arith.constant 0 : index
    %get3A_47 = arith.constant 0 : index
    %get3A_48 = arith.constant 0 : index
    %get3A_49 = vector.load %arg6[%get3A_46, %get3A_47, %get3A_48] : memref<1x1x512xi32, #tpu.memory_space<vmem>>, vector<1x1x512xi32>
    %get3A_50 = vector.shape_cast %get3A_49 : vector<1x1x512xi32> to vector<1x512xi32>
    %eq3A_51 = vector.broadcast %get3A_50 : vector<1x512xi32> to vector<2048x512xi32>
    %eq3A_52 = arith.cmpi eq, %iota3A_45, %eq3A_51 : vector<2048x512xi32>
    %convert_element_type3A_53 = arith.extui %eq3A_52 : vector<2048x512xi1> to vector<2048x512xi32>
    %convert_element_type3A_54 = arith.sitofp %convert_element_type3A_53 : vector<2048x512xi32> to vector<2048x512xf32>
    %convert_element_type3A_55 = arith.truncf %convert_element_type3A_54 : vector<2048x512xf32> to vector<2048x512xbf16>
    %get3A_56 = arith.constant 0 : index
    %get3A_57 = arith.constant 0 : index
    %get3A_58 = vector.load %arg9[%get3A_56, %get3A_57] : memref<2048x768xf32, #tpu.memory_space<vmem>>, vector<2048x768xf32>
    %dot_general3A_59 = arith.constant dense<0.000000e+00> : vector<2048x768xf32>
    %dot_general3A_60 = tpu.matmul %convert_element_type3A_55, %convert_element_type3A_44, %dot_general3A_59 {dimension_numbers = #tpu.dot_dimension_numbers<[1], [0], [0], [1], [0, 0, 1, 1], [], []>, transpose_lhs_hint = false} : vector<2048x512xbf16>, vector<512x768xbf16>, vector<2048x768xf32> -> vector<2048x768xf32>
    %add3A_61 = arith.addf %get3A_58, %dot_general3A_60 : vector<2048x768xf32>
    %swap3A = arith.constant 0 : index
    %swap3A_62 = arith.constant 0 : index
    %swap3A_63 = vector.load %arg9[%swap3A, %swap3A_62] : memref<2048x768xf32, #tpu.memory_space<vmem>>, vector<2048x768xf32>
    tpu.vector_store %arg9[%swap3A, %swap3A_62], %add3A_61 {strides = array<i32>} : memref<2048x768xf32, #tpu.memory_space<vmem>>, vector<2048x768xf32>,
    return
  }
  func.func @transform_0(%arg0: i32) -> (i32, i32) {
    %c0_i32 = arith.constant 0 : i32
    %c0_i32_0 = arith.constant 0 : i32
    return %arg0, %c0_i32 : i32, i32
  }
  func.func @transform_1(%arg0: i32) -> (i32, i32, i32) {
    %c0_i32 = arith.constant 0 : i32
    %c0_i32_0 = arith.constant 0 : i32
    %c0_i32_1 = arith.constant 0 : i32
    return %arg0, %c0_i32, %c0_i32_0 : i32, i32, i32
  }
  func.func @transform_2(%arg0: i32) -> (i32, i32, i32) {
    %c0_i32 = arith.constant 0 : i32
    %c0_i32_0 = arith.constant 0 : i32
    %c0_i32_1 = arith.constant 0 : i32
    return %arg0, %c0_i32, %c0_i32_0 : i32, i32, i32
  }
  func.func @transform_3(%arg0: i32) -> (i32, i32, i32) {
    %c0_i32 = arith.constant 0 : i32
    %c0_i32_0 = arith.constant 0 : i32
    %c0_i32_1 = arith.constant 0 : i32
    return %arg0, %c0_i32, %c0_i32_0 : i32, i32, i32
  }
  func.func @transform_4(%arg0: i32) -> (i32, i32, i32) {
    %c0_i32 = arith.constant 0 : i32
    %c0_i32_0 = arith.constant 0 : i32
    %c0_i32_1 = arith.constant 0 : i32
    return %arg0, %c0_i32, %c0_i32_0 : i32, i32, i32
  }
  func.func @transform_5(%arg0: i32) -> (i32, i32, i32) {
    %c0_i32 = arith.constant 0 : i32
    %c0_i32_0 = arith.constant 0 : i32
    %c0_i32_1 = arith.constant 0 : i32
    return %arg0, %c0_i32, %c0_i32_0 : i32, i32, i32
  }
  func.func @transform_6(%arg0: i32) -> (i32, i32) {
    %c0_i32 = arith.constant 0 : i32
    %c0_i32_0 = arith.constant 0 : i32
    %c0_i32_1 = arith.constant 0 : i32
    return %c0_i32, %c0_i32_0 : i32, i32
  }
  func.func @transform_7(%arg0: i32) -> (i32, i32) {
    %c0_i32 = arith.constant 0 : i32
    %c0_i32_0 = arith.constant 0 : i32
    %c0_i32_1 = arith.constant 0 : i32
    return %c0_i32, %c0_i32_0 : i32, i32
  }
  func.func @transform_8(%arg0: i32) -> (i32, i32) {
    %c0_i32 = arith.constant 0 : i32
    %c0_i32_0 = arith.constant 0 : i32
    %c0_i32_1 = arith.constant 0 : i32
    return %c0_i32, %c0_i32_0 : i32, i32
  }
}

</mosaic_0001>

<sc_bundles>
// kernel: kernel.6.cloned.1.call-start
scs
__scs_entry_jumppad:
0x0: {  	(pc) =	sbr.rel $0x88, $3  }
0x1: {  	(tag) =	ssettag $0x0;
	lr =	simm.s32 $0x1  }
0x2: {  	[smem:$0x3F96] =	sst lr;
	_ =	strace $0xD0000000  }
0x3: {  	_ = 	snop  }
0x4: {  	_ = 	snop  }
0x5: {  	_ = 	snop  }
0x6: {  	_ = 	snop  }
0x7: {  	_ = 	snop  }
__scs_overlays_trampoline_lowered:
0x8: {  	[smem:$0x3FA5] =	sst s0  }
0x9: {  	[smem:$0x3FA6] =	sst s1  }
0xa: {  	[smem:$0x3FA7] =	sst s2  }
0xb: {  	[smem:$0x3FA8] =	sst s3  }
0xc: {  	[smem:$0x3FA9] =	sst s4  }
0xd: {  	[smem:$0x3FAA] =	sst s5  }
0xe: {  	[smem:$0x3FAB] =	sst s6  }
0xf: {  	[smem:$0x3FAC] =	sst s7  }
0x10: {  	[smem:$0x3FAD] =	sst s8  }
0x11: {  	[smem:$0x3FAE] =	sst s9;
	s0 =	simm.s32 @!p0 $0x0  }
0x12: {  	s1 =	sld [smem:$0x3F94];
	s0 =	simm.s32 @p0 $0x1  }
0x13: {  	[smem:$0x3FAF] =	sst s0;
	s0 =	simm.s32 @!p1 $0x0  }
0x14: {  	s2 =	sld [smem:$0x3F93];
	s0 =	simm.s32 @p1 $0x1  }
0x15: {  	[smem:$0x3FB0] =	sst s0;
	s0 =	simm.s32 @!p2 $0x0  }
0x16: {  	s3 =	sld [smem:$0x3FDB];
	s0 =	simm.s32 @p2 $0x1  }
0x17: {  	s4 =	simm.s32 $0x1BF5;
	[smem:$0x3FB2] =	sst s0  }
0x18: {  	s0 =	sld [smem:$0x3F95];
	_ =	swait.ge [sflag:s4], $0x0  }
0x19: {  	s7 =	sld [smem:$0x3F96]  }
0x1a: {  	s8 =	sadd.s32 $0xFFFFE003, lr  }
0x1b: {  	s9 =	sadd.s32 $0xFFFFFEF7, lr;
	s5 =	simm.s32 $0xFFFFFFFF;
	p2 =	slt.u32 s8, $0xFFFFF086  }
0x1c: {  	p1 =	slt.u32 s9, $0xF7A;
	s5 =	simm.s32 @!p2 $0x0  }
0x1d: {  	s5 =	simm.s32 @p1 $0x1;
	p0 =	seq.s32 s7, s2  }
0x1e: {  	s7 =	smul.u32 @!p0 $0xF7A, s2;
	p2 =	seq.s32 @!p0 s5, $0x0  }
0x1f: {  	s9 =	smul.u32 $0xF7A, s1;
	s8 =	simm.s32 @!p0 $0x1BF5;
	p2 =	por !p2, p0  }
0x20: {  	[sflag:s8] =	ssyncset.s32 @!p0 $0xFFFFF086;
	s6 =	sadd.s32 @!p0 s3, s7;
	s7 =	simm.s32 @!p0 $0x108  }
0x21: {  	s3 =	sadd.s32 s3, s9;
	s6 =	sadd.s32 @!p0 $0x88, s6;
	s7 =	simm.s32 @p2 $0x1082  }
0x22: {  	[simem:s7], [sflag:s8] =	dma.local @!p0 [hbm:s6], $0xF7A  }
0x23: {  	s9 =	sor.u32 $0xD0000000, s2;
	s6 =	simm.s32 $0x108;
	_ =	swait.ge @!p0 [sflag:s8], $0x0  }
0x24: {  	s3 =	sadd.s32 $0x88, s3;
	s6 =	simm.s32 @!p1 $0x1082;
	[sflag:s4] =	ssyncset.s32 $0xFFFFF086  }
0x25: {  	[simem:s6], [sflag:s4] =	dma.local [hbm:s3], $0xF7A  }
0x26: {  	[smem:$0x3F96] =	sst s1;
	(tag) =	ssettag s2;
	_ =	strace s9  }
0x27: {  	s1 =	sld [smem:$0x3FA6]  }
0x28: {  	s2 =	sld [smem:$0x3FA7]  }
0x29: {  	s4 =	sld [smem:$0x3FA9]  }
0x2a: {  	p0 =	seq.s32 s5, $0x0;
	s5 =	sld [smem:$0x3FAA]  }
0x2b: {  	s6 =	sld [smem:$0x3FAB]  }
0x2c: {  	s7 =	sld [smem:$0x3FAC]  }
0x2d: {  	s3 =	simm.s32 $0x108;
	s8 =	sld [smem:$0x3FAD]  }
0x2e: {  	s3 =	simm.s32 @!p0 $0x1082;
	s9 =	sld [smem:$0x3FAE]  }
0x2f: {  	lr =	sadd.s32 s0, s3;
	s0 =	sld [smem:$0x3FA5]  }
0x30: {  	s3 =	sld [smem:$0x3FA8]  }
0x31: {  	[smem:$0x3FB1] =	sst s10  }
0x32: {  	s10 =	sld [smem:$0x3FAF];
	_ =	sdelay $0x3  }
0x33: {  	p0 =	seq.s32 s10, $0x1;
	s10 =	sld [smem:$0x3FB1];
	_ =	sdelay $0x3  }
0x34: {  	[smem:$0x3FB1] =	sst s10  }
0x35: {  	s10 =	sld [smem:$0x3FB0];
	_ =	sdelay $0x3  }
0x36: {  	p1 =	seq.s32 s10, $0x1;
	s10 =	sld [smem:$0x3FB1];
	_ =	sdelay $0x3  }
0x37: {  	[smem:$0x3FB1] =	sst s10  }
0x38: {  	s10 =	sld [smem:$0x3FB2]  }
0x39: {  	_ = 	snop;
	(pc) =	sbr.ind lr, $3  }
0x3a: {  	_ = 	snop  }
0x3b: {  	_ = 	snop  }
0x3c: {  	p2 =	seq.s32 s10, $0x1;
	s10 =	sld [smem:$0x3FB1]  }
0x3d: {  	_ =	shalt  }
0x3e: {  	_ =	shalt  }
0x3f: {  	_ =	shalt  }
0x40: {  	_ =	shalt  }
0x41: {  	_ =	shalt  }
0x42: {  	_ =	shalt  }
0x43: {  	_ =	shalt  }
0x44: {  	_ =	shalt  }
0x45: {  	_ =	shalt  }
0x46: {  	_ =	shalt  }
0x47: {  	_ =	shalt  }
0x48: {  	_ =	shalt  }
0x49: {  	_ =	shalt  }
0x4a: {  	_ =	shalt  }
0x4b: {  	_ =	shalt  }
0x4c: {  	_ =	shalt  }
0x4d: {  	_ =	shalt  }
0x4e: {  	_ =	shalt  }
0x4f: {  	_ =	shalt  }
0x50: {  	_ =	shalt  }
0x51: {  	_ =	shalt  }
0x52: {  	_ =	shalt  }
0x53: {  	_ =	shalt  }
0x54: {  	_ =	shalt  }
0x55: {  	_ =	shalt  }
0x56: {  	_ =	shalt  }
0x57: {  	_ =	shalt  }
0x58: {  	_ =	shalt  }
0x59: {  	_ =	shalt  }
0x5a: {  	_ =	shalt  }
0x5b: {  	_ =	shalt  }
0x5c: {  	_ =	shalt  }
0x5d: {  	_ =	shalt  }
0x5e: {  	_ =	shalt  }
0x5f: {  	_ =	shalt  }
0x60: {  	_ =	shalt  }
0x61: {  	_ =	shalt  }
0x62: {  	_ =	shalt  }
0x63: {  	_ =	shalt  }
0x64: {  	_ =	shalt  }
0x65: {  	_ =	shalt  }
0x66: {  	_ =	shalt  }
0x67: {  	_ =	shalt  }
0x68: {  	_ =	shalt  }
0x69: {  	_ =	shalt  }
0x6a: {  	_ =	shalt  }
0x6b: {  	_ =	shalt  }
0x6c: {  	_ =	shalt  }
0x6d: {  	_ =	shalt  }
0x6e: {  	_ =	shalt  }
0x6f: {  	_ =	shalt  }
0x70: {  	_ =	shalt  }
0x71: {  	_ =	shalt  }
0x72: {  	_ =	shalt  }
0x73: {  	_ =	shalt  }
0x74: {  	_ =	shalt  }
0x75: {  	_ =	shalt  }
0x76: {  	_ =	shalt  }
0x77: {  	_ =	shalt  }
0x78: {  	_ =	shalt  }
0x79: {  	_ =	shalt  }
0x7a: {  	_ =	shalt  }
0x7b: {  	_ =	shalt  }
0x7c: {  	_ =	shalt  }
0x7d: {  	_ =	shalt  }
0x7e: {  	_ =	shalt  }
0x7f: {  	_ =	shalt  }
0x80: {  	_ =	shalt  }
0x81: {  	_ =	shalt  }
0x82: {  	_ =	shalt  }
0x83: {  	_ =	shalt  }
0x84: {  	_ =	shalt  }
0x85: {  	_ =	shalt  }
0x86: {  	_ =	shalt  }
0x87: {  	_ =	shalt  }
.Lfunc_end0:
.L_simem_size_0:
called_computation_lowered:
.L_overlay_start_0:
0x88: {  	s2 =	sld [smem:$0x3FD9]  }
0x89: {  	s3 =	sld [smem:$0x3FFE];
	_ =	sdelay $0x1  }
0x8a: {  	s1 =	srdreg.scid  }
0x8b: {  	s0 =	sand.u32 $0x1, s1  }
0x8c: {  	s14 =	sshll.u32 s0, $0xA;
	s2 =	sadd.s32 s3, s2  }
0x8d: {  	s2 =	sadd.s32 s2, s14  }
0x8e: {  	[smem:$0x3FBD] =	sst s2  }
0x8f: {  	_ = 	snop  }
0x90: {  	s2 =	sld [smem:$0x3FD0];
	_ =	sdelay $0x2  }
0x91: {  	s4 =	simm.s32 $0xA;
	s5 =	simm.s32 $0x10;
	s15 =	sld [smem:$0x3FC9]  }
0x92: {  	[smem:s5], [sflag:s4] =	dma.local [hbm:s2], $0x1  }
0x93: {  	_ =	swait.eq [sflag:s4], $0x1  }
0x94: {  	[sflag:s4] =	ssyncset.done $0x0  }
0x95: {  	[sflag:s4] =	ssyncadd.s32 $0xFFFFFFFF  }
0x96: {  	s16 =	sld [smem:$0x10];
	(tm) =	ssettm $0x1  }
0x97: {  	s17 =	sld [smem:$0x3FFB];
	_ =	sdelay $0x3  }
0x98: {  	_ =	strace s17  }
0x99: {  	s4 =	sld [smem:$0x3FFC];
	_ =	sdelay $0x3  }
0x9a: {  	_ =	strace s4  }
0x9b: {  	s4 =	sld [smem:$0x3FFD];
	_ =	sdelay $0x3  }
0x9c: {  	_ =	strace s4  }
0x9d: {  	_ =	strace $0x8FFFFFFF  }
0x9e: {  	s18 =	sld [smem:$0x3FDB];
	_ =	sdelay $0x1  }
0x9f: {  	s19 =	simm.s32 $_scs_section_size  }
0xa0: {  	s6 =	simm.s32 $_size__tile_overlayer_lowered;
	s7 =	simm.s32 $_tile_overlayer_lowered  }
0xa1: {  	s22 =	simm.s32 $0x1BFF;
	s21 =	sshll.u32 s7, $0x1;
	s4 =	sadd.s32 s19, s18  }
0xa2: {  	s8 =	simm.s32 $0x0;
	s20 =	sshll.u32 s6, $0x1;
	s6 =	sadd.s32 s21, s4  }
0xa3: {  	[timem:s8], [sflag:s22] =	dma.local [hbm:s6], s20  }
0xa4: {  	_ =	swait.ge [sflag:s22], s20  }
0xa5: {  	s5 =	ssub.s32 $0x0, s20;
	[sflag:s22] =	ssyncset.done $0x0  }
0xa6: {  	[sflag:s22] =	ssyncadd.s32 s5;
	_ =	sdelay $0x1  }
0xa7: {  	s23 =	simm.s32 $0x1B8B  }
0xa8: {  	_ =	swait.ge [sflag:s23], $0x1  }
0xa9: {  	[sflag:s23] =	ssyncset.done $0x0  }
0xaa: {  	s25 =	simm.s32 $0x1B8E;
	s24 =	sld [smem:$0x3FFE];
	[sflag:s23] =	ssyncadd.s32 $0xFFFFFFFF  }
0xab: {  	s26 =	simm.s32 $execute0_lowered;
	[smem:$0x3FD2] =	sst s25  }
0xac: {  	s6 =	sshll.u32 s26, $0x1;
	_ =	strace $0x80000046;
	[dreg:$0x1] =	wrdreg $0xFFFFFFFF  }
0xad: {  	s28 =	simm.s32 $_size_execute0_lowered;
	s4 =	sadd.s32 s4, s6;
	[dreg:$0x0] =	wrdreg $0x0  }
0xae: {  	s6 =	sshll.u32 s28, $0x1;
	[dreg:$0x2] =	wrdreg s4  }
0xaf: {  	[dreg:$0x3] =	wrdreg s6  }
0xb0: {  	[dreg:$0x4] =	wrdreg $0xC0  }
0xb1: {  	_ =	task [dreg:s8], $0x5FFFF  }
0xb2: {  	[dreg:$0x1] =	wrdreg $0xFFFFFFFF  }
0xb3: {  	[dreg:$0x0] =	wrdreg $0x60  }
0xb4: {  	[dreg:$0x2] =	wrdreg s15  }
0xb5: {  	[dreg:$0x3] =	wrdreg s16  }
0xb6: {  	[dreg:$0x4] =	wrdreg s24  }
0xb7: {  	[dreg:$0x5] =	wrdreg $0x194800  }
0xb8: {  	[dreg:$0x6] =	wrdreg $0x9  }
0xb9: {  	_ =	task.clear_ibuf [dreg:s8], $0x7FFFF;
	_ =	strace $0x90000046  }
0xba: {  	s29 =	simm.s32 $0x9;
	_ =	strace $0x80000048  }
0xbb: {  	_ =	swait.ge [sflag:s29], $0x1  }
0xbc: {  	[sflag:s29] =	ssyncadd.s32 $0xFFFFFFFF  }
0xbd: {  	_ =	strace $0x90000048  }
0xbe: {  	_ =	sfence  }
0xbf: {  	s30 =	sld [smem:$0x0];
	_ =	sdelay $0x2  }
0xc0: {  	s31 =	sshll.u32 s1, $0xD;
	s1 =	sshrl.u32 s1, $0x2  }
0xc1: {  	s3 =	sand.u32 $0x4000, s31;
	s1 =	sadd.s32 s1, s30  }
0xc2: {  	s0 =	sor.u32 s3, s0;
	s1 =	sshll.u32 s1, $0x11  }
0xc3: {  	s0 =	sor.u32 s1, s0  }
0xc4: {  	s0 =	sadd.s32 $0x8F2B, s0  }
0xc5: {  	[sflag:s0] =	ssyncadd.remote.s32 $0x1  }
0xc6: {  	_ =	sfence.sel $0xFFFF  }
0xc7: {  	[dreg:$0x0] =	wrdreg $0xFFFFFFFF;
	(pc) =	sbr.abs _section_cstart, $3  }
0xc8: {  	[dreg:$0x1] =	wrdreg $0xFFFFFFFF  }
0xc9: {  	_ =	task.clear_ibuf [dreg:s8], $0x2FFFF;
	_ =	strace $0x9FFFFFFF  }
0xca: {  	(tm) =	ssettm $0x7FFFFFFF  }
0xcb: {  	_ =	shalt  }
tec
execute0_lowered:
.L_overlay_start_1:
0x0: {  	(tag) =	ssettag $0x1  }
0x1: {  	s1 =	rddreg [dreg:$0x0]  }
0x2: {  	s0 =	rddreg [dreg:$0x1]  }
0x3: {  	s2 =	srdreg.scid;
	s4 =	rddreg [dreg:$0x2]  }
0x4: {  	s14 =	stileid.u32;
	s8 =	rddreg [dreg:$0x3];
	s15 =	simm.s32 $0x400  }
0x5: {  	s16 =	simm.s32 $0x2;
	s17 =	simm.s32 $0x1000;
	s18 =	simm.s32 $0x1200  }
0x6: {  	s28 =	simm.s32 $0x15C80;
	s29 =	simm.s32 $0x16480;
	s30 =	simm.s32 $0x16C80  }
0x7: {  	s31 =	simm.s32 $0x17480;
	s2 =	sand.u32 $0x1, s2;
	s5 =	sand.u32 $0x3, s14  }
0x8: {  	s6 =	sshll.u32 s14, $0x7;
	s11 =	sshll.u32 s14, $0x4;
	p0 =	sgt.u32 s14, $0x3  }
0x9: {  	s14 =	simm.s32 $0x80;
	s3 =	sshll.u32 s2, $0xB;
	s7 =	sshll.u32 s5, $0x7  }
0xa: {  	s9 =	sand.u32 $0x600, s6;
	s10 =	sshll.u32 s2, $0x6;
	s2 =	ssub.s32 $0x2, s2  }
0xb: {  	s22 =	sadd.s32 s6, s8;
	s24 =	sshll.u32 s5, $0x9;
	s6 =	simm.s32 $0x1400  }
0xc: {  	s5 =	simm.s32 $0x0;
	s7 =	sor.u32 s3, s7;
	s3 =	simm.s32 $0x0  }
0xd: {  	s10 =	sadd.s32 s11, s10;
	s19 =	sshrl.u32 s2, $0x1;
	s25 =	sadd.s32 s24, s8  }
0xe: {  	s26 =	sshrl.u32 s9, $0x2;
	s11 =	sadd.s32 $0x200, s1;
	s8 =	simm.s32 $0x2480  }
0xf: {  	s24 =	simm.s32 $0x14480;
	s7 =	sor.u32 s9, s7;
	[smem:$0x7FF] =	sst s3  }
0x10: {  	s12 =	sadd.s32 s0, s10;
	s20 =	sadd.s32 s10, s4;
	s2 =	ssub.s32 s2, s19  }
0x11: {  	s9 =	sadd.s32 s26, s25;
	s10 =	sadd.s32 $0x100, s1;
	s25 =	simm.s32 $0x14C80  }
0x12: {  	s26 =	simm.s32 $0x15480;
	s19 =	simm.s32 $0x1;
	s7 =	sshrl.u32 s7, $0x3  }
0x13: {  	_ =	strace $0x80000047;
	[dreg:$0x5] =	wrdreg s12;
	s21 =	sadd.s32 $0x800, s12  }
0x14: {  	[dreg:$0x7] =	wrdreg s22;
	s23 =	sadd.s32 $0x2A00, s20;
	s0 =	sadd.s32 $0x2C00, s20  }
.Ltmp0:
0x15: {  	s13 =	smax.u32 s2, $0x1;
	[dreg:$0x6] =	wrdreg s21;
	(pc) =	sbr.rel .LBB2_1-.Ltmp0, $4  }
0x16: {  	s20 =	simm.s32 $0x2C80;
	s7 =	smul.u32 $0x300, s7;
	[dreg:$0x8] =	wrdreg s23  }
0x17: {  	v0 =	vimm.s32 $0x0;
	v1 =	vlaneseq.u32;
	s2 =	simm.s32 $0x18480;
	[dreg:$0x9] =	wrdreg s0;
	s21 =	simm.s32 $0x1480  }
0x18: {  	v2 =	vimm.f32 $0.0e+00;
	vm0 =	vmmov $0xffff;
	v4 =	vshrl.u32 v1, $0x3;
	s23 =	simm.s32 $0x13C80;
	s0 =	simm.s32 $0x18C80;
	s7 =	sadd.s32 s7, s4  }
0x19: {  	v3 =	vand.u32 $0x7, v1;
	v5 =	vor.u32 $0x8, v1;
	v4 =	vmul.u32 $0x8, v4;
	s4 =	simm.s32 $0x17C80;
	s12 =	sadd.s32 $0x2E00, s7;
	s7 =	simm.s32 $0x1C80  }
.LBB2_4:
0x1a: {  	v7 =	vmax.f32 v6, $0.0e+00  }
0x1b: {  	v7 =	vtrunc.f32 v7  }
0x1c: {  	vm1 =	vge.f32 v6, $0.0e+00;
	v6 =	vcvt.f32.s32 v7  }
0x1d: {  	s6 =	sadd.s32 $0x10, s6  }
0x1e: {  	v7 =	vld [tilespmem:s6+$0x0];
	_ =	sdelay $0x2  }
0x1f: {  	v8 =	vor.u32 s7, v1  }
0x20: {  	[tilespmem:v6+s17+$0x0] =	vst.idx.msk vm1, v8  }
0x21: {  	s7 =	rddreg [dreg:$0x7];
	s8 =	simm.s32 $0x200;
	[tilespmem:v6+s18+$0x0] =	vst.idx.msk vm1, v7  }
0x22: {  	[spmem:s7] =	stream.strided.scatter [tilespmem:s17], [sflag:$0x2], $0x200, s8, s14, $0x38;
	[tilespmem:$0x19500] =	vst v63  }
0x23: {  	_ =	swait.ge [sflag:s16], $0x200  }
0x24: {  	[sflag:s16] =	ssyncset.done $0x0  }
0x25: {  	s20 =	rddreg [dreg:$0x8];
	[sflag:s16] =	ssyncadd.s32 $0xFFFFFE00  }
0x26: {  	[hbm4b:s20+s14] =	stream.strided.scatter [tilespmem:s17], [sflag:$0x2], $0x200, s15, s14, $0x38;
	[tilespmem:$0x19500] =	vst v63  }
0x27: {  	_ =	swait.ge [sflag:s16], $0x200  }
0x28: {  	[sflag:s16] =	ssyncset.done $0x0  }
0x29: {  	s22 =	rddreg [dreg:$0x9];
	[sflag:s16] =	ssyncadd.s32 $0xFFFFFE00  }
0x2a: {  	[hbm4b:s22+s14] =	stream.strided.scatter [tilespmem:s18], [sflag:$0x2], $0x200, s15, s14, $0x38;
	[tilespmem:$0x19500] =	vst v63  }
0x2b: {  	_ =	swait.ge [sflag:s16], $0x200  }
0x2c: {  	s6 =	simm.s32 $0x1400;
	s7 =	simm.s32 $0x1C80;
	[sflag:s16] =	ssyncset.done $0x0  }
0x2d: {  	s8 =	simm.s32 $0x2480;
	s20 =	simm.s32 $0x2C80;
	[sflag:s16] =	ssyncadd.s32 $0xFFFFFE00  }
.LBB2_5:
0x2e: {  	[bflag:$0x0] =	sbarrier.arrive $0xFFFF  }
0x2f: {  	[tilespmem:s6], [sflag:$0x2] =	stream.linear.gather [spmem:s9], $0x80, $0x38;
	[tilespmem:$0x19500] =	vst v63  }
0x30: {  	_ =	swait.ge [sflag:s16], $0x80  }
0x31: {  	[sflag:s16] =	ssyncset.done $0x0  }
0x32: {  	[sflag:s16] =	ssyncadd.s32 $0xFFFFFF80  }
0x33: {  	v6 =	vld [tilespmem:$0x1400];
	_ =	sdelay $0x4  }
0x34: {  	v7 =	vshrl.u32 v6, $0x3  }
0x35: {  	v7 =	vmul.u32 $0x30, v7  }
0x36: {  	v6 =	vand.u32 $0x7, v6  }
0x37: {  	v6 =	vor.u32 v6, v7  }
0x38: {  	v7 =	vperm.xlane v6, v3;
	_ =	sdelay $0x1  }
0x39: {  	v7 =	vadd.s32 v4, v7;
	_ =	sdelay $0x3  }
0x3a: {  	v6 =	vperm.xlane v6, v5  }
0x3b: {  	[tilespmem:s21], [sflag:$0x1] =	stream.indirect_vreg.gather [hbm4b:s1+s3], $0x80, v7, vm0, $0xb8;
	[tilespmem:$0x19500] =	vst v63  }
0x3c: {  	v6 =	vadd.s32 v4, v6  }
0x3d: {  	[tilespmem:s7], [sflag:$0x1] =	stream.indirect_vreg.gather [hbm4b:s10+s3], $0x80, v7, vm0, $0xb8;
	[tilespmem:$0x19500] =	vst v63  }
0x3e: {  	_ = 	snop  }
0x3f: {  	[tilespmem:s8], [sflag:$0x1] =	stream.indirect_vreg.gather [hbm4b:s11+s3], $0x80, v7, vm0, $0xb8;
	[tilespmem:$0x19500] =	vst v63  }
0x40: {  	_ = 	snop  }
0x41: {  	[tilespmem:s20], [sflag:$0x1] =	stream.indirect_vreg.gather [hbm4b:s1+s3], $0x80, v6, vm0, $0xb8;
	[tilespmem:$0x19500] =	vst v63  }
0x42: {  	s22 =	simm.s32 $0x3480  }
0x43: {  	[tilespmem:s22], [sflag:$0x1] =	stream.indirect_vreg.gather [hbm4b:s10+s3], $0x80, v6, vm0, $0xb8;
	[tilespmem:$0x19500] =	vst v63  }
0x44: {  	s22 =	simm.s32 $0x3C80  }
0x45: {  	[tilespmem:s22], [sflag:$0x1] =	stream.indirect_vreg.gather [hbm4b:s11+s3], $0x80, v6, vm0, $0xb8;
	[tilespmem:$0x19500] =	vst v63  }
0x46: {  	v6 =	vld [tilespmem:$0x1410];
	_ =	sdelay $0x4  }
0x47: {  	v7 =	vshrl.u32 v6, $0x3  }
0x48: {  	v7 =	vmul.u32 $0x30, v7  }
0x49: {  	v6 =	vand.u32 $0x7, v6  }
0x4a: {  	v6 =	vor.u32 v6, v7  }
0x4b: {  	v7 =	vperm.xlane v6, v3;
	_ =	sdelay $0x1  }
0x4c: {  	v7 =	vadd.s32 v4, v7;
	_ =	sdelay $0x3  }
0x4d: {  	s22 =	simm.s32 $0x4480;
	v6 =	vperm.xlane v6, v5  }
0x4e: {  	[tilespmem:s22], [sflag:$0x1] =	stream.indirect_vreg.gather [hbm4b:s1+s3], $0x80, v7, vm0, $0xb8;
	[tilespmem:$0x19500] =	vst v63  }
0x4f: {  	v6 =	vadd.s32 v4, v6;
	s22 =	simm.s32 $0x4C80  }
0x50: {  	[tilespmem:s22], [sflag:$0x1] =	stream.indirect_vreg.gather [hbm4b:s10+s3], $0x80, v7, vm0, $0xb8;
	[tilespmem:$0x19500] =	vst v63  }
0x51: {  	s22 =	simm.s32 $0x5480  }
0x52: {  	[tilespmem:s22], [sflag:$0x1] =	stream.indirect_vreg.gather [hbm4b:s11+s3], $0x80, v7, vm0, $0xb8;
	[tilespmem:$0x19500] =	vst v63  }
0x53: {  	s22 =	simm.s32 $0x5C80  }
0x54: {  	[tilespmem:s22], [sflag:$0x1] =	stream.indirect_vreg.gather [hbm4b:s1+s3], $0x80, v6, vm0, $0xb8;
	[tilespmem:$0x19500] =	vst v63  }
0x55: {  	s22 =	simm.s32 $0x6480  }
0x56: {  	[tilespmem:s22], [sflag:$0x1] =	stream.indirect_vreg.gather [hbm4b:s10+s3], $0x80, v6, vm0, $0xb8;
	[tilespmem:$0x19500] =	vst v63  }
0x57: {  	s22 =	simm.s32 $0x6C80  }
0x58: {  	[tilespmem:s22], [sflag:$0x1] =	stream.indirect_vreg.gather [hbm4b:s11+s3], $0x80, v6, vm0, $0xb8;
	[tilespmem:$0x19500] =	vst v63  }
0x59: {  	v6 =	vld [tilespmem:$0x1420];
	_ =	sdelay $0x4  }
0x5a: {  	v7 =	vshrl.u32 v6, $0x3  }
0x5b: {  	v7 =	vmul.u32 $0x30, v7  }
0x5c: {  	v6 =	vand.u32 $0x7, v6  }
0x5d: {  	v6 =	vor.u32 v6, v7  }
0x5e: {  	v7 =	vperm.xlane v6, v3;
	_ =	sdelay $0x1  }
0x5f: {  	v7 =	vadd.s32 v4, v7;
	_ =	sdelay $0x3  }
0x60: {  	s22 =	simm.s32 $0x7480;
	v6 =	vperm.xlane v6, v5  }
0x61: {  	[tilespmem:s22], [sflag:$0x1] =	stream.indirect_vreg.gather [hbm4b:s1+s3], $0x80, v7, vm0, $0xb8;
	[tilespmem:$0x19500] =	vst v63  }
0x62: {  	v6 =	vadd.s32 v4, v6;
	s22 =	simm.s32 $0x7C80  }
0x63: {  	[tilespmem:s22], [sflag:$0x1] =	stream.indirect_vreg.gather [hbm4b:s10+s3], $0x80, v7, vm0, $0xb8;
	[tilespmem:$0x19500] =	vst v63  }
0x64: {  	s22 =	simm.s32 $0x8480  }
0x65: {  	[tilespmem:s22], [sflag:$0x1] =	stream.indirect_vreg.gather [hbm4b:s11+s3], $0x80, v7, vm0, $0xb8;
	[tilespmem:$0x19500] =	vst v63  }
0x66: {  	s22 =	simm.s32 $0x8C80  }
0x67: {  	[tilespmem:s22], [sflag:$0x1] =	stream.indirect_vreg.gather [hbm4b:s1+s3], $0x80, v6, vm0, $0xb8;
	[tilespmem:$0x19500] =	vst v63  }
0x68: {  	s22 =	simm.s32 $0x9480  }
0x69: {  	[tilespmem:s22], [sflag:$0x1] =	stream.indirect_vreg.gather [hbm4b:s10+s3], $0x80, v6, vm0, $0xb8;
	[tilespmem:$0x19500] =	vst v63  }
0x6a: {  	s22 =	simm.s32 $0x9C80  }
0x6b: {  	[tilespmem:s22], [sflag:$0x1] =	stream.indirect_vreg.gather [hbm4b:s11+s3], $0x80, v6, vm0, $0xb8;
	[tilespmem:$0x19500] =	vst v63  }
0x6c: {  	v6 =	vld [tilespmem:$0x1430];
	_ =	sdelay $0x4  }
0x6d: {  	v7 =	vshrl.u32 v6, $0x3  }
0x6e: {  	v7 =	vmul.u32 $0x30, v7  }
0x6f: {  	v6 =	vand.u32 $0x7, v6  }
0x70: {  	v6 =	vor.u32 v6, v7  }
0x71: {  	v7 =	vperm.xlane v6, v3;
	_ =	sdelay $0x1  }
0x72: {  	v7 =	vadd.s32 v4, v7;
	_ =	sdelay $0x3  }
0x73: {  	s22 =	simm.s32 $0xA480;
	v6 =	vperm.xlane v6, v5  }
0x74: {  	[tilespmem:s22], [sflag:$0x1] =	stream.indirect_vreg.gather [hbm4b:s1+s3], $0x80, v7, vm0, $0xb8;
	[tilespmem:$0x19500] =	vst v63  }
0x75: {  	v6 =	vadd.s32 v4, v6;
	s22 =	simm.s32 $0xAC80  }
0x76: {  	[tilespmem:s22], [sflag:$0x1] =	stream.indirect_vreg.gather [hbm4b:s10+s3], $0x80, v7, vm0, $0xb8;
	[tilespmem:$0x19500] =	vst v63  }
0x77: {  	s22 =	simm.s32 $0xB480  }
0x78: {  	[tilespmem:s22], [sflag:$0x1] =	stream.indirect_vreg.gather [hbm4b:s11+s3], $0x80, v7, vm0, $0xb8;
	[tilespmem:$0x19500] =	vst v63  }
0x79: {  	s22 =	simm.s32 $0xBC80  }
0x7a: {  	[tilespmem:s22], [sflag:$0x1] =	stream.indirect_vreg.gather [hbm4b:s1+s3], $0x80, v6, vm0, $0xb8;
	[tilespmem:$0x19500] =	vst v63  }
0x7b: {  	s22 =	simm.s32 $0xC480  }
0x7c: {  	[tilespmem:s22], [sflag:$0x1] =	stream.indirect_vreg.gather [hbm4b:s10+s3], $0x80, v6, vm0, $0xb8;
	[tilespmem:$0x19500] =	vst v63  }
0x7d: {  	s22 =	simm.s32 $0xCC80  }
0x7e: {  	[tilespmem:s22], [sflag:$0x1] =	stream.indirect_vreg.gather [hbm4b:s11+s3], $0x80, v6, vm0, $0xb8;
	[tilespmem:$0x19500] =	vst v63  }
0x7f: {  	v6 =	vld [tilespmem:$0x1440];
	_ =	sdelay $0x4  }
0x80: {  	v7 =	vshrl.u32 v6, $0x3  }
0x81: {  	v7 =	vmul.u32 $0x30, v7  }
0x82: {  	v6 =	vand.u32 $0x7, v6  }
0x83: {  	v6 =	vor.u32 v6, v7  }
0x84: {  	v7 =	vperm.xlane v6, v3;
	_ =	sdelay $0x1  }
0x85: {  	v7 =	vadd.s32 v4, v7;
	_ =	sdelay $0x3  }
0x86: {  	s22 =	simm.s32 $0xD480;
	v6 =	vperm.xlane v6, v5  }
0x87: {  	[tilespmem:s22], [sflag:$0x1] =	stream.indirect_vreg.gather [hbm4b:s1+s3], $0x80, v7, vm0, $0xb8;
	[tilespmem:$0x19500] =	vst v63  }
0x88: {  	v6 =	vadd.s32 v4, v6;
	s22 =	simm.s32 $0xDC80  }
0x89: {  	[tilespmem:s22], [sflag:$0x1] =	stream.indirect_vreg.gather [hbm4b:s10+s3], $0x80, v7, vm0, $0xb8;
	[tilespmem:$0x19500] =	vst v63  }
0x8a: {  	s22 =	simm.s32 $0xE480  }
0x8b: {  	[tilespmem:s22], [sflag:$0x1] =	stream.indirect_vreg.gather [hbm4b:s11+s3], $0x80, v7, vm0, $0xb8;
	[tilespmem:$0x19500] =	vst v63  }
0x8c: {  	s22 =	simm.s32 $0xEC80  }
0x8d: {  	[tilespmem:s22], [sflag:$0x1] =	stream.indirect_vreg.gather [hbm4b:s1+s3], $0x80, v6, vm0, $0xb8;
	[tilespmem:$0x19500] =	vst v63  }
0x8e: {  	s22 =	simm.s32 $0xF480  }
0x8f: {  	[tilespmem:s22], [sflag:$0x1] =	stream.indirect_vreg.gather [hbm4b:s10+s3], $0x80, v6, vm0, $0xb8;
	[tilespmem:$0x19500] =	vst v63  }
0x90: {  	s22 =	simm.s32 $0xFC80  }
0x91: {  	[tilespmem:s22], [sflag:$0x1] =	stream.indirect_vreg.gather [hbm4b:s11+s3], $0x80, v6, vm0, $0xb8;
	[tilespmem:$0x19500] =	vst v63  }
0x92: {  	v6 =	vld [tilespmem:$0x1450];
	_ =	sdelay $0x4  }
0x93: {  	v7 =	vshrl.u32 v6, $0x3  }
0x94: {  	v7 =	vmul.u32 $0x30, v7  }
0x95: {  	v6 =	vand.u32 $0x7, v6  }
0x96: {  	v6 =	vor.u32 v6, v7  }
0x97: {  	v7 =	vperm.xlane v6, v3;
	_ =	sdelay $0x1  }
0x98: {  	v7 =	vadd.s32 v4, v7;
	_ =	sdelay $0x3  }
0x99: {  	s22 =	simm.s32 $0x10480;
	v6 =	vperm.xlane v6, v5  }
0x9a: {  	[tilespmem:s22], [sflag:$0x1] =	stream.indirect_vreg.gather [hbm4b:s1+s3], $0x80, v7, vm0, $0xb8;
	[tilespmem:$0x19500] =	vst v63  }
0x9b: {  	v6 =	vadd.s32 v4, v6;
	s22 =	simm.s32 $0x10C80  }
0x9c: {  	[tilespmem:s22], [sflag:$0x1] =	stream.indirect_vreg.gather [hbm4b:s10+s3], $0x80, v7, vm0, $0xb8;
	[tilespmem:$0x19500] =	vst v63  }
0x9d: {  	s22 =	simm.s32 $0x11480  }
0x9e: {  	[tilespmem:s22], [sflag:$0x1] =	stream.indirect_vreg.gather [hbm4b:s11+s3], $0x80, v7, vm0, $0xb8;
	[tilespmem:$0x19500] =	vst v63  }
0x9f: {  	s22 =	simm.s32 $0x11C80  }
0xa0: {  	[tilespmem:s22], [sflag:$0x1] =	stream.indirect_vreg.gather [hbm4b:s1+s3], $0x80, v6, vm0, $0xb8;
	[tilespmem:$0x19500] =	vst v63  }
0xa1: {  	s22 =	simm.s32 $0x12480  }
0xa2: {  	[tilespmem:s22], [sflag:$0x1] =	stream.indirect_vreg.gather [hbm4b:s10+s3], $0x80, v6, vm0, $0xb8;
	[tilespmem:$0x19500] =	vst v63  }
0xa3: {  	s22 =	simm.s32 $0x12C80  }
0xa4: {  	[tilespmem:s22], [sflag:$0x1] =	stream.indirect_vreg.gather [hbm4b:s11+s3], $0x80, v6, vm0, $0xb8;
	[tilespmem:$0x19500] =	vst v63  }
0xa5: {  	v6 =	vld [tilespmem:$0x1460];
	_ =	sdelay $0x4  }
0xa6: {  	v7 =	vshrl.u32 v6, $0x3  }
0xa7: {  	v7 =	vmul.u32 $0x30, v7  }
0xa8: {  	v6 =	vand.u32 $0x7, v6  }
0xa9: {  	v6 =	vor.u32 v6, v7  }
0xaa: {  	v7 =	vperm.xlane v6, v3;
	_ =	sdelay $0x1  }
0xab: {  	v7 =	vadd.s32 v4, v7;
	_ =	sdelay $0x3  }
0xac: {  	s22 =	simm.s32 $0x13480;
	v6 =	vperm.xlane v6, v5  }
0xad: {  	[tilespmem:s22], [sflag:$0x1] =	stream.indirect_vreg.gather [hbm4b:s1+s3], $0x80, v7, vm0, $0xb8;
	[tilespmem:$0x19500] =	vst v63  }
0xae: {  	v6 =	vadd.s32 v4, v6  }
0xaf: {  	[tilespmem:s23], [sflag:$0x1] =	stream.indirect_vreg.gather [hbm4b:s10+s3], $0x80, v7, vm0, $0xb8;
	[tilespmem:$0x19500] =	vst v63  }
0xb0: {  	_ = 	snop  }
0xb1: {  	[tilespmem:s24], [sflag:$0x1] =	stream.indirect_vreg.gather [hbm4b:s11+s3], $0x80, v7, vm0, $0xb8;
	[tilespmem:$0x19500] =	vst v63  }
0xb2: {  	_ = 	snop  }
0xb3: {  	[tilespmem:s25], [sflag:$0x1] =	stream.indirect_vreg.gather [hbm4b:s1+s3], $0x80, v6, vm0, $0xb8;
	[tilespmem:$0x19500] =	vst v63  }
0xb4: {  	_ = 	snop  }
0xb5: {  	[tilespmem:s26], [sflag:$0x1] =	stream.indirect_vreg.gather [hbm4b:s10+s3], $0x80, v6, vm0, $0xb8;
	[tilespmem:$0x19500] =	vst v63  }
0xb6: {  	_ = 	snop  }
0xb7: {  	[tilespmem:s28], [sflag:$0x1] =	stream.indirect_vreg.gather [hbm4b:s11+s3], $0x80, v6, vm0, $0xb8;
	[tilespmem:$0x19500] =	vst v63  }
0xb8: {  	v6 =	vld [tilespmem:$0x1470];
	_ =	sdelay $0x4  }
0xb9: {  	v7 =	vshrl.u32 v6, $0x3  }
0xba: {  	v7 =	vmul.u32 $0x30, v7  }
0xbb: {  	v6 =	vand.u32 $0x7, v6  }
0xbc: {  	v6 =	vor.u32 v6, v7  }
0xbd: {  	v7 =	vperm.xlane v6, v3;
	_ =	sdelay $0x1  }
0xbe: {  	v7 =	vadd.s32 v4, v7;
	_ =	sdelay $0x3  }
0xbf: {  	v6 =	vperm.xlane v6, v5  }
0xc0: {  	[tilespmem:s29], [sflag:$0x1] =	stream.indirect_vreg.gather [hbm4b:s1+s3], $0x80, v7, vm0, $0xb8;
	[tilespmem:$0x19500] =	vst v63  }
0xc1: {  	v6 =	vadd.s32 v4, v6  }
0xc2: {  	[tilespmem:s30], [sflag:$0x1] =	stream.indirect_vreg.gather [hbm4b:s10+s3], $0x80, v7, vm0, $0xb8;
	[tilespmem:$0x19500] =	vst v63  }
0xc3: {  	_ = 	snop  }
0xc4: {  	[tilespmem:s31], [sflag:$0x1] =	stream.indirect_vreg.gather [hbm4b:s11+s3], $0x80, v7, vm0, $0xb8;
	[tilespmem:$0x19500] =	vst v63  }
0xc5: {  	_ = 	snop  }
0xc6: {  	[tilespmem:s4], [sflag:$0x1] =	stream.indirect_vreg.gather [hbm4b:s1+s3], $0x80, v6, vm0, $0xb8;
	[tilespmem:$0x19500] =	vst v63  }
0xc7: {  	_ = 	snop  }
0xc8: {  	[tilespmem:s2], [sflag:$0x1] =	stream.indirect_vreg.gather [hbm4b:s10+s3], $0x80, v6, vm0, $0xb8;
	[tilespmem:$0x19500] =	vst v63  }
0xc9: {  	_ = 	snop  }
0xca: {  	[tilespmem:s0], [sflag:$0x1] =	stream.indirect_vreg.gather [hbm4b:s11+s3], $0x80, v6, vm0, $0xb8;
	[tilespmem:$0x19500] =	vst v63  }
0xcb: {  	s5 =	sadd.s32 $0x1, s5;
	_ =	swait.ge [sflag:s19], $0x18000  }
0xcc: {  	p1 =	sne.s32 s5, s13;
	[sflag:s19] =	ssyncset.done $0x0  }
.Ltmp1:
0xcd: {  	[sflag:s19] =	ssyncadd.s32 $0xFFFE8000;
	(pc) =	sbr.rel @!p1 .LBB2_6-.Ltmp1, $4  }
0xce: {  	[hbm4b:s12+s3] =	stream.linear.scatter [tilespmem:s21], [sflag:$0x2], $0x18000, $0x38;
	[tilespmem:$0x19500] =	vst v63  }
0xcf: {  	_ =	swait.ge [sflag:s16], $0x18000  }
0xd0: {  	[sflag:s16] =	ssyncset.done $0x0  }
0xd1: {  	[sflag:s16] =	ssyncadd.s32 $0xFFFE8000  }
.LBB2_1:
.Ltmp2:
0xd2: {  	(pc) =	sbr.rel @p0 .LBB2_5-.Ltmp2, $1  }
0xd3: {  	_ =	sdelay $0x3  }
0xd4: {  	s6 =	simm.s32 $0x0;
	s7 =	rddreg [dreg:$0x5]  }
0xd5: {  	[tilespmem:s6], [sflag:$0x2] =	stream.strided.gather [hbm4b:s7+s14], $0x800, s15, s14, $0x38;
	[tilespmem:$0x19500] =	vst v63  }
0xd6: {  	_ =	swait.ge [sflag:s16], $0x800  }
0xd7: {  	[sflag:s16] =	ssyncset.done $0x0  }
0xd8: {  	s22 =	simm.s32 $0x800;
	s8 =	rddreg [dreg:$0x6];
	[sflag:s16] =	ssyncadd.s32 $0xFFFFF800  }
0xd9: {  	[tilespmem:s22], [sflag:$0x2] =	stream.strided.gather [hbm4b:s8+s14], $0x800, s15, s14, $0x38;
	[tilespmem:$0x19500] =	vst v63  }
0xda: {  	_ =	swait.ge [sflag:s16], $0x800  }
0xdb: {  	[sflag:s16] =	ssyncset.done $0x0  }
0xdc: {  	[sflag:s16] =	ssyncadd.s32 $0xFFFFF800  }
0xdd: {  	[tilespmem:$0x1000] =	vst v0  }
0xde: {  	[tilespmem:$0x1200] =	vst v2  }
0xdf: {  	[tilespmem:$0x1010] =	vst v0  }
0xe0: {  	[tilespmem:$0x1210] =	vst v2  }
0xe1: {  	[tilespmem:$0x1020] =	vst v0  }
0xe2: {  	[tilespmem:$0x1220] =	vst v2  }
0xe3: {  	[tilespmem:$0x1030] =	vst v0  }
0xe4: {  	[tilespmem:$0x1230] =	vst v2  }
0xe5: {  	[tilespmem:$0x1040] =	vst v0  }
0xe6: {  	[tilespmem:$0x1240] =	vst v2  }
0xe7: {  	[tilespmem:$0x1050] =	vst v0  }
0xe8: {  	[tilespmem:$0x1250] =	vst v2  }
0xe9: {  	[tilespmem:$0x1060] =	vst v0  }
0xea: {  	[tilespmem:$0x1260] =	vst v2  }
0xeb: {  	[tilespmem:$0x1070] =	vst v0  }
0xec: {  	[tilespmem:$0x1270] =	vst v2  }
0xed: {  	[tilespmem:$0x1080] =	vst v0  }
0xee: {  	[tilespmem:$0x1280] =	vst v2  }
0xef: {  	[tilespmem:$0x1090] =	vst v0  }
0xf0: {  	[tilespmem:$0x1290] =	vst v2  }
0xf1: {  	[tilespmem:$0x10A0] =	vst v0  }
0xf2: {  	[tilespmem:$0x12A0] =	vst v2  }
0xf3: {  	[tilespmem:$0x10B0] =	vst v0  }
0xf4: {  	[tilespmem:$0x12B0] =	vst v2  }
0xf5: {  	[tilespmem:$0x10C0] =	vst v0  }
0xf6: {  	[tilespmem:$0x12C0] =	vst v2  }
0xf7: {  	[tilespmem:$0x10D0] =	vst v0  }
0xf8: {  	[tilespmem:$0x12D0] =	vst v2  }
0xf9: {  	[tilespmem:$0x10E0] =	vst v0  }
0xfa: {  	[tilespmem:$0x12E0] =	vst v2  }
0xfb: {  	[tilespmem:$0x10F0] =	vst v0  }
0xfc: {  	[tilespmem:$0x12F0] =	vst v2  }
0xfd: {  	[tilespmem:$0x1100] =	vst v0  }
0xfe: {  	[tilespmem:$0x1300] =	vst v2  }
0xff: {  	[tilespmem:$0x1110] =	vst v0  }
0x100: {  	[tilespmem:$0x1310] =	vst v2  }
0x101: {  	[tilespmem:$0x1120] =	vst v0  }
0x102: {  	[tilespmem:$0x1320] =	vst v2  }
0x103: {  	[tilespmem:$0x1130] =	vst v0  }
0x104: {  	[tilespmem:$0x1330] =	vst v2  }
0x105: {  	[tilespmem:$0x1140] =	vst v0  }
0x106: {  	[tilespmem:$0x1340] =	vst v2  }
0x107: {  	[tilespmem:$0x1150] =	vst v0  }
0x108: {  	[tilespmem:$0x1350] =	vst v2  }
0x109: {  	[tilespmem:$0x1160] =	vst v0  }
0x10a: {  	[tilespmem:$0x1360] =	vst v2  }
0x10b: {  	[tilespmem:$0x1170] =	vst v0  }
0x10c: {  	[tilespmem:$0x1370] =	vst v2  }
0x10d: {  	[tilespmem:$0x1180] =	vst v0  }
0x10e: {  	[tilespmem:$0x1380] =	vst v2  }
0x10f: {  	[tilespmem:$0x1190] =	vst v0  }
0x110: {  	[tilespmem:$0x1390] =	vst v2  }
0x111: {  	[tilespmem:$0x11A0] =	vst v0  }
0x112: {  	[tilespmem:$0x13A0] =	vst v2  }
0x113: {  	[tilespmem:$0x11B0] =	vst v0  }
0x114: {  	[tilespmem:$0x13B0] =	vst v2  }
0x115: {  	[tilespmem:$0x11C0] =	vst v0  }
0x116: {  	[tilespmem:$0x13C0] =	vst v2  }
0x117: {  	[tilespmem:$0x11D0] =	vst v0  }
0x118: {  	[tilespmem:$0x13D0] =	vst v2  }
0x119: {  	[tilespmem:$0x11E0] =	vst v0  }
0x11a: {  	[tilespmem:$0x13E0] =	vst v2  }
0x11b: {  	[tilespmem:$0x11F0] =	vst v0  }
0x11c: {  	[tilespmem:$0x13F0] =	vst v2  }
0x11d: {  	v6 =	vld [tilespmem:s22+$0x0];
	_ =	sdelay $0x4  }
0x11e: {  	v7 =	vmax.f32 v6, $0.0e+00  }
0x11f: {  	v7 =	vtrunc.f32 v7  }
0x120: {  	vm1 =	vge.f32 v6, $0.0e+00;
	v6 =	vcvt.f32.s32 v7;
	_ =	sdelay $0x1  }
0x121: {  	v7 =	vld [tilespmem:s6+$0x0];
	_ =	sdelay $0x2  }
0x122: {  	v8 =	vor.u32 s6, v1  }
0x123: {  	[tilespmem:v6+s17+$0x0] =	vst.idx.msk vm1, v8  }
0x124: {  	s8 =	simm.s32 $0x810;
	[tilespmem:v6+s18+$0x0] =	vst.idx.msk vm1, v7  }
0x125: {  	v6 =	vld [tilespmem:s8+$0x0]  }
0x126: {  	s20 =	simm.s32 $0x20;
	s7 =	simm.s32 $0x10  }
.LBB2_3:
0x127: {  	p1 =	sne.s32 s20, $0x7F0;
	_ =	sdelay $0x2  }
0x128: {  	v7 =	vmax.f32 v6, $0.0e+00  }
0x129: {  	v7 =	vtrunc.f32 v7  }
0x12a: {  	vm1 =	vge.f32 v6, $0.0e+00;
	v6 =	vcvt.f32.s32 v7  }
0x12b: {  	s6 =	sadd.s32 $0x10, s6  }
0x12c: {  	v7 =	vld [tilespmem:s6+$0x0];
	_ =	sdelay $0x2  }
.Ltmp3:
0x12d: {  	v8 =	vor.u32 s7, v1;
	s7 =	smov.u32 s20;
	(pc) =	sbr.rel @p1 .LBB2_3-.Ltmp3, $4  }
0x12e: {  	[tilespmem:v6+s17+$0x0] =	vst.idx.msk vm1, v8  }
0x12f: {  	s8 =	sadd.s32 $0x10, s8;
	[tilespmem:v6+s18+$0x0] =	vst.idx.msk vm1, v7  }
0x130: {  	v6 =	vld [tilespmem:s8+$0x0]  }
0x131: {  	s20 =	sadd.s32 $0x10, s20  }
.Ltmp4:
0x132: {  	_ = 	snop;
	(pc) =	sbr.rel .LBB2_4-.Ltmp4, $1  }
0x133: {  	_ =	sdelay $0x3  }
.LBB2_6:
0x134: {  	_ =	sfence.sel $0x180000  }
0x135: {  	[bflag:$0x0] =	sbarrier.arrive $0xFFFF  }
0x136: {  	_ =	strace $0x90000047  }
0x137: {  	s0 =	stileid.u32;
	[bflag:$0x2] =	sbarrier.arrive $0xFFFF  }
0x138: {  	p0 =	sne.s32 s0, $0x0;
	s0 =	rddreg [dreg:$0x4]  }
0x139: {  	s0 =	sadd.s32 @!p0 $0x100000, s0  }
0x13a: {  	[sflag:s0] =	ssyncadd.tile.s32 @!p0 $0x1;
	_ =	shalt  }
.Lfunc_end2:
_tile_overlayer_lowered:
.L_overlay_start_2:
0x13b: {  	(tag) =	ssettag $0x2  }
0x13c: {  	s0 =	rddreg [dreg:$0x0];
	s2 =	stileid.u32  }
0x13d: {  	s1 =	rddreg [dreg:$0x1];
	p0 =	sne.s32 s2, $0x0  }
0x13e: {  	s3 =	rddreg [dreg:$0x2];
	[bflag:$0x3] =	sbarrier.arrive $0xFFFF;
	s2 =	simm.s32 @!p0 $0x1C02  }
0x13f: {  	[timem:s3], [sflag:s2] =	dma.local @!p0 [hbm:s0], s1  }
0x140: {  	s0 =	simm.s32 @!p0 $0x2  }
0x141: {  	_ =	swait.ge @!p0 [sflag:s0], s1  }
0x142: {  	s1 =	ssub.s32 @!p0 $0x0, s1;
	[sflag:s0] =	ssyncset.done @!p0 $0x0  }
0x143: {  	[sflag:s0] =	ssyncadd.s32 @!p0 s1  }
0x144: {  	[bflag:$0x3] =	sbarrier.arrive $0xFFFF  }
0x145: {  	_ =	shalt  }

</sc_bundles>
